<compile_context>
chip_gen: v7x
topology: tpu7x:2x2x1
jax: 0.10.2.dev20260603
libtpu: 0.0.44.dev20260713+nightly
codegen_flags: <defaults>
</compile_context>

<pallas_src>
import functools

import jax
import jax.numpy as jnp
from jax import lax
from jax.experimental import pallas as pl
from jax.experimental.pallas import tpu as pltpu
from jax.experimental.pallas import tpu_sc as plsc

N_NODES = 10000
N_EDGES = 160000
D = 256
H = D // 2
NS = 16
NL = 16
EPT = N_EDGES // NS
B = 128
KR = 79
KB = KR + 1
NPAD = 10112
RPT = NPAD // NS


def _sc_segment_sum(x2, idx_packed, zer):
    mesh = plsc.VectorSubcoreMesh(core_axis_name="c", subcore_axis_name="s")

    @functools.partial(
        pl.kernel,
        out_type=jax.ShapeDtypeStruct((2, NPAD, H), jnp.float32),
        mesh=mesh,
        scratch_types=[
            pltpu.VMEM((B,), jnp.int32),
            pltpu.VMEM((B,), jnp.int32),
            pltpu.VMEM((B,), jnp.int32),
            pltpu.VMEM((B,), jnp.int32),
            pltpu.VMEM((B,), jnp.int32),
            pltpu.VMEM((B,), jnp.int32),
            pltpu.VMEM((B, H), jnp.float32),
            pltpu.VMEM((B, H), jnp.float32),
            pltpu.VMEM_SHARED((NPAD, H), jnp.float32),
            pltpu.SemaphoreType.DMA,
            pltpu.SemaphoreType.DMA,
            pltpu.SemaphoreType.DMA,
            pltpu.SemaphoreType.DMA,
        ],
    )
    def sc_accum(x2_hbm, idx_hbm, zer_hbm, out_hbm,
                 ib0, ib1, ga0, ga1, ra0, ra1, buf0, buf1, s_sh,
                 si0, si1, sg0, sg1):
        c = lax.axis_index("c")
        t = lax.axis_index("s")
        pltpu.sync_copy(zer_hbm, s_sh.at[pl.ds(t * RPT, RPT)])
        plsc.subcore_barrier()

        def unpack(ib, ga, ra):
            for v in range(B // NL):
                w = ib[pl.ds(NL * v, NL)]
                ga[pl.ds(NL * v, NL)] = (w & 0x1FFFF) + c
                ra[pl.ds(NL * v, NL)] = lax.shift_right_logical(w, 17)

        pltpu.sync_copy(idx_hbm.at[t, 0], ib0)
        unpack(ib0, ga0, ra0)
        pltpu.async_copy(x2_hbm.at[ga0], buf0, sg0)
        pltpu.async_copy(idx_hbm.at[t, 1], ib1, si1)

        def half_step(k, ib_a, si_a, ga_a, ra_a, buf_a, sg_a,
                      ib_b, si_b, ga_b, ra_b, buf_b, sg_b):
            pltpu.make_async_copy(idx_hbm.at[t, k + 1], ib_b, si_b).wait()
            unpack(ib_b, ga_b, ra_b)
            pltpu.async_copy(x2_hbm.at[ga_b], buf_b, sg_b)
            pltpu.async_copy(idx_hbm.at[t, k + 2], ib_a, si_a)
            pltpu.make_async_copy(x2_hbm.at[ga_a], buf_a, sg_a).wait()
            pltpu.sync_copy(buf_a, s_sh.at[ra_a], add=True)

        def step(j, carry):
            k0 = 2 * j
            half_step(k0, ib0, si0, ga0, ra0, buf0, sg0,
                      ib1, si1, ga1, ra1, buf1, sg1)
            half_step(k0 + 1, ib1, si1, ga1, ra1, buf1, sg1,
                      ib0, si0, ga0, ra0, buf0, sg0)
            return carry

        lax.fori_loop(0, (KR - 1) // 2, step, 0)
        pltpu.make_async_copy(x2_hbm.at[ga0], buf0, sg0).wait()
        pltpu.sync_copy(buf0, s_sh.at[ra0], add=True)
        pltpu.make_async_copy(idx_hbm.at[t, KR], ib1, si1).wait()
        plsc.subcore_barrier()
        pltpu.sync_copy(s_sh.at[pl.ds(t * RPT, RPT)],
                        out_hbm.at[c, pl.ds(t * RPT, RPT)])

    return sc_accum(x2, idx_packed, zer)


def _tc_finish(x, s0, s1, wt, bias2):
    blk = 2000
    grid = (N_NODES // blk,)

    def body(x_ref, s0_ref, s1_ref, wt_ref, b_ref, o_ref):
        xs = x_ref[...] * jnp.concatenate([s0_ref[...], s1_ref[...]], axis=-1)
        o_ref[...] = (jnp.dot(xs, wt_ref[...],
                              preferred_element_type=jnp.float32)
                      + b_ref[...])

    return pl.pallas_call(
        body,
        grid=grid,
        in_specs=[
            pl.BlockSpec((blk, D), lambda i: (i, 0)),
            pl.BlockSpec((blk, H), lambda i: (i, 0)),
            pl.BlockSpec((blk, H), lambda i: (i, 0)),
            pl.BlockSpec((D, D), lambda i: (0, 0)),
            pl.BlockSpec((1, D), lambda i: (0, 0)),
        ],
        out_specs=pl.BlockSpec((blk, D), lambda i: (i, 0)),
        out_shape=jax.ShapeDtypeStruct((N_NODES, D), jnp.float32),
    )(x, s0, s1, wt, bias2)


def kernel(x, edge_index, weight, bias):
    row = edge_index[0].astype(jnp.int32)
    col = edge_index[1].astype(jnp.int32)
    x2 = x.reshape(2 * N_NODES, H)
    packed = (row << 17) | (col << 1)
    pad = jnp.full((NS, KB * B - EPT), (NPAD - 1) << 17, jnp.int32)
    idx_packed = jnp.concatenate(
        [packed.reshape(NS, EPT), pad], axis=1).reshape(NS, KB, B)
    zer = jnp.zeros((RPT, H), dtype=jnp.float32)

    s = _sc_segment_sum(x2, idx_packed, zer)

    wt = weight.T
    bias2 = bias[None, :]
    return _tc_finish(x, s[0], s[1], wt, bias2)

# --- scband reference (transcript-rebuilt; emitter-appended) ---
"""Pipeline reference for scband-cu-equivariance-layer-67362267070644 (READ-ONLY COPY).

The authoritative reference and input builder live on the scoring server;
editing this copy changes nothing except your own understanding.
"""

import jax, jax.numpy as jnp
import numpy as np

N_NODES = 10000
N_EDGES = 160000
D_IN = 256
D_OUT = 256


def setup_inputs(seed: int = 0) -> dict:
    key = jax.random.key(seed)
    k1, k2, k3 = jax.random.split(key, 3)
    x = jax.random.normal(k1, (N_NODES, D_IN), dtype=jnp.float32)
    edge_index = jax.random.randint(k2, (2, N_EDGES), 0, N_NODES, dtype=jnp.int64)
    # Learned parameters sized per init_kwargs
    weight = jax.random.normal(k3, (D_OUT, D_IN), dtype=jnp.float32) * 0.01
    bias = jnp.zeros((D_OUT,), dtype=jnp.float32)
    return {"x": x, "edge_index": edge_index, "weight": weight, "bias": bias}


def reference(x, edge_index, weight, bias):
    # row, col = edge_index
    row = edge_index[0]
    col = edge_index[1]
    # Tensor product of gathered source/destination node features.
    # The external cuEquivariance TensorProduct is modeled as the elementwise
    # (degree-preserving) product of the two gathered feature vectors,
    # producing messages of shape [num_edges, out_features] (in==out here).
    x_row = jnp.take(x, row, axis=0)
    x_col = jnp.take(x, col, axis=0)
    messages = x_row * x_col
    # out = zeros(num_nodes, out_features); out.index_add_(0, row, messages)
    out = jnp.zeros((x.shape[0], D_OUT), dtype=x.dtype).at[row].add(messages)
    # out = out @ weight.T + bias
    out = jnp.matmul(out, weight.T) + bias
    return out

if __name__ == "__main__":
    import jax
    _d = setup_inputs()
    print(jax.jit(kernel)(*tuple(_d.values())))

</pallas_src>

<mosaic_0001>
#map = affine_map<(d0, d1) -> (0, 0)>
#map1 = affine_map<(d0, d1) -> (0, 0, 0)>
module attributes {stable_mosaic.version = 14 : i64} {
  func.func @sc_accum(%arg0: i32, %arg1: i32, %arg2: memref<20000x128xf32, #tpu.memory_space<hbm>>, %arg3: memref<16x80x128xi32, #tpu.memory_space<hbm>>, %arg4: memref<632x128xf32, #tpu.memory_space<hbm>>, %arg5: memref<2x10112x128xf32, #tpu.memory_space<hbm>>, %arg6: memref<128xi32, #tpu.memory_space<vmem>>, %arg7: memref<128xi32, #tpu.memory_space<vmem>>, %arg8: memref<128xi32, #tpu.memory_space<vmem>>, %arg9: memref<128xi32, #tpu.memory_space<vmem>>, %arg10: memref<128xi32, #tpu.memory_space<vmem>>, %arg11: memref<128xi32, #tpu.memory_space<vmem>>, %arg12: memref<128x128xf32, #tpu.memory_space<vmem>>, %arg13: memref<128x128xf32, #tpu.memory_space<vmem>>, %arg14: memref<10112x128xf32, #tpu.memory_space<vmem_shared>>, %arg15: memref<!tpu.dma_semaphore, #tpu.memory_space<semaphore_mem>>, %arg16: memref<!tpu.dma_semaphore, #tpu.memory_space<semaphore_mem>>, %arg17: memref<!tpu.dma_semaphore, #tpu.memory_space<semaphore_mem>>, %arg18: memref<!tpu.dma_semaphore, #tpu.memory_space<semaphore_mem>>) attributes {dimension_semantics = [#tpu.dimension_semantics<core_parallel>, #tpu.dimension_semantics<subcore_parallel>], iteration_bounds = array<i64: 2, 16>, scalar_prefetch = 0 : i64, scratch_operands = 13 : i64, tpu.core_type = #tpu.core_type<sc_vector_subcore>, window_params = [{transform_indices = #map}, {transform_indices = #map1}, {transform_indices = #map}, {transform_indices = #map1}]} {
    %mul3A = arith.constant 632 : i32
    %mul3A_0 = arith.muli %arg1, %mul3A : i32
    "tpu.region"() ({
      %run_scoped3A_176 = tpu.sem_alloc : memref<!tpu.dma_semaphore, #tpu.memory_space<semaphore_mem>>
      %dma_start3A_177 = arith.constant 0 : i32
      %dma_start3A_178 = tpu.memref_slice %arg14[%mul3A_0, %dma_start3A_177] : memref<10112x128xf32, #tpu.memory_space<vmem_shared>> -> memref<632x128xf32, #tpu.memory_space<vmem_shared>>
      tpu.enqueue_dma source(%arg4 : memref<632x128xf32, #tpu.memory_space<hbm>>) target(%dma_start3A_178 : memref<632x128xf32, #tpu.memory_space<vmem_shared>>) target_semaphore(%run_scoped3A_176 : memref<!tpu.dma_semaphore, #tpu.memory_space<semaphore_mem>>)
      %dma_wait3A_179 = arith.constant 0 : i32
      %dma_wait3A_180 = tpu.memref_slice %arg14[%mul3A_0, %dma_wait3A_179] : memref<10112x128xf32, #tpu.memory_space<vmem_shared>> -> memref<632x128xf32, #tpu.memory_space<vmem_shared>>
      tpu.wait_dma2 semaphore(%run_scoped3A_176 : memref<!tpu.dma_semaphore, #tpu.memory_space<semaphore_mem>>) src(%arg4 : memref<632x128xf32, #tpu.memory_space<hbm>>) dst(%dma_wait3A_180 : memref<632x128xf32, #tpu.memory_space<vmem_shared>>)
      tpu.yield
    }) : () -> ()
    %barrier3A = arith.constant 0 : index
    tpu.barrier barrier_id(%barrier3A)
    %run_scoped3A = arith.constant 0 : i32
    "tpu.region"() ({
      %run_scoped3A_176 = tpu.sem_alloc : memref<!tpu.dma_semaphore, #tpu.memory_space<semaphore_mem>>
      %dma_start3A_177 = arith.constant 0 : i32
      %dma_start3A_178 = tpu.memref_slice %arg3[%arg1, %run_scoped3A, %dma_start3A_177] : memref<16x80x128xi32, #tpu.memory_space<hbm>> -> memref<1x1x128xi32, #tpu.memory_space<hbm>>
      %dma_start3A_179 = tpu.memref_squeeze %dma_start3A_178 : memref<1x1x128xi32, #tpu.memory_space<hbm>> -> memref<128xi32, #tpu.memory_space<hbm>>
      %dma_start3A_180 = arith.constant 0 : i32
      %dma_start3A_181 = tpu.memref_slice %arg3[%arg1, %run_scoped3A, %dma_start3A_180] : memref<16x80x128xi32, #tpu.memory_space<hbm>> -> memref<1x1x128xi32, #tpu.memory_space<hbm>>
      %dma_start3A_182 = tpu.memref_squeeze %dma_start3A_181 : memref<1x1x128xi32, #tpu.memory_space<hbm>> -> memref<128xi32, #tpu.memory_space<hbm>>
      tpu.enqueue_dma source(%dma_start3A_182 : memref<128xi32, #tpu.memory_space<hbm>>) target(%arg6 : memref<128xi32, #tpu.memory_space<vmem>>) target_semaphore(%run_scoped3A_176 : memref<!tpu.dma_semaphore, #tpu.memory_space<semaphore_mem>>)
      %dma_wait3A_183 = arith.constant 0 : i32
      %dma_wait3A_184 = tpu.memref_slice %arg3[%arg1, %run_scoped3A, %dma_wait3A_183] : memref<16x80x128xi32, #tpu.memory_space<hbm>> -> memref<1x1x128xi32, #tpu.memory_space<hbm>>
      %dma_wait3A_185 = tpu.memref_squeeze %dma_wait3A_184 : memref<1x1x128xi32, #tpu.memory_space<hbm>> -> memref<128xi32, #tpu.memory_space<hbm>>
      %dma_wait3A_186 = arith.constant 0 : i32
      %dma_wait3A_187 = tpu.memref_slice %arg3[%arg1, %run_scoped3A, %dma_wait3A_186] : memref<16x80x128xi32, #tpu.memory_space<hbm>> -> memref<1x1x128xi32, #tpu.memory_space<hbm>>
      %dma_wait3A_188 = tpu.memref_squeeze %dma_wait3A_187 : memref<1x1x128xi32, #tpu.memory_space<hbm>> -> memref<128xi32, #tpu.memory_space<hbm>>
      tpu.wait_dma2 semaphore(%run_scoped3A_176 : memref<!tpu.dma_semaphore, #tpu.memory_space<semaphore_mem>>) src(%dma_wait3A_188 : memref<128xi32, #tpu.memory_space<hbm>>) dst(%arg6 : memref<128xi32, #tpu.memory_space<vmem>>)
      tpu.yield
    }) : () -> ()
    %get3A = arith.constant 0 : index
    %get3A_1 = tpu.vector_load %arg6[%get3A] {strides = array<i32>} : memref<128xi32, #tpu.memory_space<vmem>>, vector<16xi32>,
    %get3A_2 = vector.shape_cast %get3A_1 : vector<16xi32> to vector<16xi32>
    %and3A = arith.constant 131071 : i32
    %and3A_3 = vector.broadcast %and3A : i32 to vector<16xi32>
    %and3A_4 = arith.andi %get3A_2, %and3A_3 : vector<16xi32>
    %add3A = vector.broadcast %arg0 : i32 to vector<16xi32>
    %add3A_5 = arith.addi %and3A_4, %add3A : vector<16xi32>
    %swap3A = arith.constant 0 : index
    %swap3A_6 = tpu.vector_load %arg8[%swap3A] {strides = array<i32>} : memref<128xi32, #tpu.memory_space<vmem>>, vector<16xi32>,
    %swap3A_7 = vector.shape_cast %swap3A_6 : vector<16xi32> to vector<16xi32>
    %swap3A_8 = vector.shape_cast %add3A_5 : vector<16xi32> to vector<16xi32>
    tpu.vector_store %arg8[%swap3A], %swap3A_8 {strides = array<i32>} : memref<128xi32, #tpu.memory_space<vmem>>, vector<16xi32>,
    %shift_right_logical3A = arith.constant 17 : i32
    %shift_right_logical3A_9 = vector.broadcast %shift_right_logical3A : i32 to vector<16xi32>
    %shift_right_logical3A_10 = arith.shrui %get3A_2, %shift_right_logical3A_9 : vector<16xi32>
    %swap3A_11 = arith.constant 0 : index
    %swap3A_12 = tpu.vector_load %arg10[%swap3A_11] {strides = array<i32>} : memref<128xi32, #tpu.memory_space<vmem>>, vector<16xi32>,
    %swap3A_13 = vector.shape_cast %swap3A_12 : vector<16xi32> to vector<16xi32>
    %swap3A_14 = vector.shape_cast %shift_right_logical3A_10 : vector<16xi32> to vector<16xi32>
    tpu.vector_store %arg10[%swap3A_11], %swap3A_14 {strides = array<i32>} : memref<128xi32, #tpu.memory_space<vmem>>, vector<16xi32>,
    %get3A_15 = arith.constant 16 : index
    %get3A_16 = tpu.vector_load %arg6[%get3A_15] {strides = array<i32>} : memref<128xi32, #tpu.memory_space<vmem>>, vector<16xi32>,
    %get3A_17 = vector.shape_cast %get3A_16 : vector<16xi32> to vector<16xi32>
    %and3A_18 = arith.constant 131071 : i32
    %and3A_19 = vector.broadcast %and3A_18 : i32 to vector<16xi32>
    %and3A_20 = arith.andi %get3A_17, %and3A_19 : vector<16xi32>
    %add3A_21 = vector.broadcast %arg0 : i32 to vector<16xi32>
    %add3A_22 = arith.addi %and3A_20, %add3A_21 : vector<16xi32>
    %swap3A_23 = arith.constant 16 : index
    %swap3A_24 = tpu.vector_load %arg8[%swap3A_23] {strides = array<i32>} : memref<128xi32, #tpu.memory_space<vmem>>, vector<16xi32>,
    %swap3A_25 = vector.shape_cast %swap3A_24 : vector<16xi32> to vector<16xi32>
    %swap3A_26 = vector.shape_cast %add3A_22 : vector<16xi32> to vector<16xi32>
    tpu.vector_store %arg8[%swap3A_23], %swap3A_26 {strides = array<i32>} : memref<128xi32, #tpu.memory_space<vmem>>, vector<16xi32>,
    %shift_right_logical3A_27 = arith.constant 17 : i32
    %shift_right_logical3A_28 = vector.broadcast %shift_right_logical3A_27 : i32 to vector<16xi32>
    %shift_right_logical3A_29 = arith.shrui %get3A_17, %shift_right_logical3A_28 : vector<16xi32>
    %swap3A_30 = arith.constant 16 : index
    %swap3A_31 = tpu.vector_load %arg10[%swap3A_30] {strides = array<i32>} : memref<128xi32, #tpu.memory_space<vmem>>, vector<16xi32>,
    %swap3A_32 = vector.shape_cast %swap3A_31 : vector<16xi32> to vector<16xi32>
    %swap3A_33 = vector.shape_cast %shift_right_logical3A_29 : vector<16xi32> to vector<16xi32>
    tpu.vector_store %arg10[%swap3A_30], %swap3A_33 {strides = array<i32>} : memref<128xi32, #tpu.memory_space<vmem>>, vector<16xi32>,
    %get3A_34 = arith.constant 32 : index
    %get3A_35 = tpu.vector_load %arg6[%get3A_34] {strides = array<i32>} : memref<128xi32, #tpu.memory_space<vmem>>, vector<16xi32>,
    %get3A_36 = vector.shape_cast %get3A_35 : vector<16xi32> to vector<16xi32>
    %and3A_37 = arith.constant 131071 : i32
    %and3A_38 = vector.broadcast %and3A_37 : i32 to vector<16xi32>
    %and3A_39 = arith.andi %get3A_36, %and3A_38 : vector<16xi32>
    %add3A_40 = vector.broadcast %arg0 : i32 to vector<16xi32>
    %add3A_41 = arith.addi %and3A_39, %add3A_40 : vector<16xi32>
    %swap3A_42 = arith.constant 32 : index
    %swap3A_43 = tpu.vector_load %arg8[%swap3A_42] {strides = array<i32>} : memref<128xi32, #tpu.memory_space<vmem>>, vector<16xi32>,
    %swap3A_44 = vector.shape_cast %swap3A_43 : vector<16xi32> to vector<16xi32>
    %swap3A_45 = vector.shape_cast %add3A_41 : vector<16xi32> to vector<16xi32>
    tpu.vector_store %arg8[%swap3A_42], %swap3A_45 {strides = array<i32>} : memref<128xi32, #tpu.memory_space<vmem>>, vector<16xi32>,
    %shift_right_logical3A_46 = arith.constant 17 : i32
    %shift_right_logical3A_47 = vector.broadcast %shift_right_logical3A_46 : i32 to vector<16xi32>
    %shift_right_logical3A_48 = arith.shrui %get3A_36, %shift_right_logical3A_47 : vector<16xi32>
    %swap3A_49 = arith.constant 32 : index
    %swap3A_50 = tpu.vector_load %arg10[%swap3A_49] {strides = array<i32>} : memref<128xi32, #tpu.memory_space<vmem>>, vector<16xi32>,
    %swap3A_51 = vector.shape_cast %swap3A_50 : vector<16xi32> to vector<16xi32>
    %swap3A_52 = vector.shape_cast %shift_right_logical3A_48 : vector<16xi32> to vector<16xi32>
    tpu.vector_store %arg10[%swap3A_49], %swap3A_52 {strides = array<i32>} : memref<128xi32, #tpu.memory_space<vmem>>, vector<16xi32>,
    %get3A_53 = arith.constant 48 : index
    %get3A_54 = tpu.vector_load %arg6[%get3A_53] {strides = array<i32>} : memref<128xi32, #tpu.memory_space<vmem>>, vector<16xi32>,
    %get3A_55 = vector.shape_cast %get3A_54 : vector<16xi32> to vector<16xi32>
    %and3A_56 = arith.constant 131071 : i32
    %and3A_57 = vector.broadcast %and3A_56 : i32 to vector<16xi32>
    %and3A_58 = arith.andi %get3A_55, %and3A_57 : vector<16xi32>
    %add3A_59 = vector.broadcast %arg0 : i32 to vector<16xi32>
    %add3A_60 = arith.addi %and3A_58, %add3A_59 : vector<16xi32>
    %swap3A_61 = arith.constant 48 : index
    %swap3A_62 = tpu.vector_load %arg8[%swap3A_61] {strides = array<i32>} : memref<128xi32, #tpu.memory_space<vmem>>, vector<16xi32>,
    %swap3A_63 = vector.shape_cast %swap3A_62 : vector<16xi32> to vector<16xi32>
    %swap3A_64 = vector.shape_cast %add3A_60 : vector<16xi32> to vector<16xi32>
    tpu.vector_store %arg8[%swap3A_61], %swap3A_64 {strides = array<i32>} : memref<128xi32, #tpu.memory_space<vmem>>, vector<16xi32>,
    %shift_right_logical3A_65 = arith.constant 17 : i32
    %shift_right_logical3A_66 = vector.broadcast %shift_right_logical3A_65 : i32 to vector<16xi32>
    %shift_right_logical3A_67 = arith.shrui %get3A_55, %shift_right_logical3A_66 : vector<16xi32>
    %swap3A_68 = arith.constant 48 : index
    %swap3A_69 = tpu.vector_load %arg10[%swap3A_68] {strides = array<i32>} : memref<128xi32, #tpu.memory_space<vmem>>, vector<16xi32>,
    %swap3A_70 = vector.shape_cast %swap3A_69 : vector<16xi32> to vector<16xi32>
    %swap3A_71 = vector.shape_cast %shift_right_logical3A_67 : vector<16xi32> to vector<16xi32>
    tpu.vector_store %arg10[%swap3A_68], %swap3A_71 {strides = array<i32>} : memref<128xi32, #tpu.memory_space<vmem>>, vector<16xi32>,
    %get3A_72 = arith.constant 64 : index
    %get3A_73 = tpu.vector_load %arg6[%get3A_72] {strides = array<i32>} : memref<128xi32, #tpu.memory_space<vmem>>, vector<16xi32>,
    %get3A_74 = vector.shape_cast %get3A_73 : vector<16xi32> to vector<16xi32>
    %and3A_75 = arith.constant 131071 : i32
    %and3A_76 = vector.broadcast %and3A_75 : i32 to vector<16xi32>
    %and3A_77 = arith.andi %get3A_74, %and3A_76 : vector<16xi32>
    %add3A_78 = vector.broadcast %arg0 : i32 to vector<16xi32>
    %add3A_79 = arith.addi %and3A_77, %add3A_78 : vector<16xi32>
    %swap3A_80 = arith.constant 64 : index
    %swap3A_81 = tpu.vector_load %arg8[%swap3A_80] {strides = array<i32>} : memref<128xi32, #tpu.memory_space<vmem>>, vector<16xi32>,
    %swap3A_82 = vector.shape_cast %swap3A_81 : vector<16xi32> to vector<16xi32>
    %swap3A_83 = vector.shape_cast %add3A_79 : vector<16xi32> to vector<16xi32>
    tpu.vector_store %arg8[%swap3A_80], %swap3A_83 {strides = array<i32>} : memref<128xi32, #tpu.memory_space<vmem>>, vector<16xi32>,
    %shift_right_logical3A_84 = arith.constant 17 : i32
    %shift_right_logical3A_85 = vector.broadcast %shift_right_logical3A_84 : i32 to vector<16xi32>
    %shift_right_logical3A_86 = arith.shrui %get3A_74, %shift_right_logical3A_85 : vector<16xi32>
    %swap3A_87 = arith.constant 64 : index
    %swap3A_88 = tpu.vector_load %arg10[%swap3A_87] {strides = array<i32>} : memref<128xi32, #tpu.memory_space<vmem>>, vector<16xi32>,
    %swap3A_89 = vector.shape_cast %swap3A_88 : vector<16xi32> to vector<16xi32>
    %swap3A_90 = vector.shape_cast %shift_right_logical3A_86 : vector<16xi32> to vector<16xi32>
    tpu.vector_store %arg10[%swap3A_87], %swap3A_90 {strides = array<i32>} : memref<128xi32, #tpu.memory_space<vmem>>, vector<16xi32>,
    %get3A_91 = arith.constant 80 : index
    %get3A_92 = tpu.vector_load %arg6[%get3A_91] {strides = array<i32>} : memref<128xi32, #tpu.memory_space<vmem>>, vector<16xi32>,
    %get3A_93 = vector.shape_cast %get3A_92 : vector<16xi32> to vector<16xi32>
    %and3A_94 = arith.constant 131071 : i32
    %and3A_95 = vector.broadcast %and3A_94 : i32 to vector<16xi32>
    %and3A_96 = arith.andi %get3A_93, %and3A_95 : vector<16xi32>
    %add3A_97 = vector.broadcast %arg0 : i32 to vector<16xi32>
    %add3A_98 = arith.addi %and3A_96, %add3A_97 : vector<16xi32>
    %swap3A_99 = arith.constant 80 : index
    %swap3A_100 = tpu.vector_load %arg8[%swap3A_99] {strides = array<i32>} : memref<128xi32, #tpu.memory_space<vmem>>, vector<16xi32>,
    %swap3A_101 = vector.shape_cast %swap3A_100 : vector<16xi32> to vector<16xi32>
    %swap3A_102 = vector.shape_cast %add3A_98 : vector<16xi32> to vector<16xi32>
    tpu.vector_store %arg8[%swap3A_99], %swap3A_102 {strides = array<i32>} : memref<128xi32, #tpu.memory_space<vmem>>, vector<16xi32>,
    %shift_right_logical3A_103 = arith.constant 17 : i32
    %shift_right_logical3A_104 = vector.broadcast %shift_right_logical3A_103 : i32 to vector<16xi32>
    %shift_right_logical3A_105 = arith.shrui %get3A_93, %shift_right_logical3A_104 : vector<16xi32>
    %swap3A_106 = arith.constant 80 : index
    %swap3A_107 = tpu.vector_load %arg10[%swap3A_106] {strides = array<i32>} : memref<128xi32, #tpu.memory_space<vmem>>, vector<16xi32>,
    %swap3A_108 = vector.shape_cast %swap3A_107 : vector<16xi32> to vector<16xi32>
    %swap3A_109 = vector.shape_cast %shift_right_logical3A_105 : vector<16xi32> to vector<16xi32>
    tpu.vector_store %arg10[%swap3A_106], %swap3A_109 {strides = array<i32>} : memref<128xi32, #tpu.memory_space<vmem>>, vector<16xi32>,
    %get3A_110 = arith.constant 96 : index
    %get3A_111 = tpu.vector_load %arg6[%get3A_110] {strides = array<i32>} : memref<128xi32, #tpu.memory_space<vmem>>, vector<16xi32>,
    %get3A_112 = vector.shape_cast %get3A_111 : vector<16xi32> to vector<16xi32>
    %and3A_113 = arith.constant 131071 : i32
    %and3A_114 = vector.broadcast %and3A_113 : i32 to vector<16xi32>
    %and3A_115 = arith.andi %get3A_112, %and3A_114 : vector<16xi32>
    %add3A_116 = vector.broadcast %arg0 : i32 to vector<16xi32>
    %add3A_117 = arith.addi %and3A_115, %add3A_116 : vector<16xi32>
    %swap3A_118 = arith.constant 96 : index
    %swap3A_119 = tpu.vector_load %arg8[%swap3A_118] {strides = array<i32>} : memref<128xi32, #tpu.memory_space<vmem>>, vector<16xi32>,
    %swap3A_120 = vector.shape_cast %swap3A_119 : vector<16xi32> to vector<16xi32>
    %swap3A_121 = vector.shape_cast %add3A_117 : vector<16xi32> to vector<16xi32>
    tpu.vector_store %arg8[%swap3A_118], %swap3A_121 {strides = array<i32>} : memref<128xi32, #tpu.memory_space<vmem>>, vector<16xi32>,
    %shift_right_logical3A_122 = arith.constant 17 : i32
    %shift_right_logical3A_123 = vector.broadcast %shift_right_logical3A_122 : i32 to vector<16xi32>
    %shift_right_logical3A_124 = arith.shrui %get3A_112, %shift_right_logical3A_123 : vector<16xi32>
    %swap3A_125 = arith.constant 96 : index
    %swap3A_126 = tpu.vector_load %arg10[%swap3A_125] {strides = array<i32>} : memref<128xi32, #tpu.memory_space<vmem>>, vector<16xi32>,
    %swap3A_127 = vector.shape_cast %swap3A_126 : vector<16xi32> to vector<16xi32>
    %swap3A_128 = vector.shape_cast %shift_right_logical3A_124 : vector<16xi32> to vector<16xi32>
    tpu.vector_store %arg10[%swap3A_125], %swap3A_128 {strides = array<i32>} : memref<128xi32, #tpu.memory_space<vmem>>, vector<16xi32>,
    %get3A_129 = arith.constant 112 : index
    %get3A_130 = tpu.vector_load %arg6[%get3A_129] {strides = array<i32>} : memref<128xi32, #tpu.memory_space<vmem>>, vector<16xi32>,
    %get3A_131 = vector.shape_cast %get3A_130 : vector<16xi32> to vector<16xi32>
    %and3A_132 = arith.constant 131071 : i32
    %and3A_133 = vector.broadcast %and3A_132 : i32 to vector<16xi32>
    %and3A_134 = arith.andi %get3A_131, %and3A_133 : vector<16xi32>
    %add3A_135 = vector.broadcast %arg0 : i32 to vector<16xi32>
    %add3A_136 = arith.addi %and3A_134, %add3A_135 : vector<16xi32>
    %swap3A_137 = arith.constant 112 : index
    %swap3A_138 = tpu.vector_load %arg8[%swap3A_137] {strides = array<i32>} : memref<128xi32, #tpu.memory_space<vmem>>, vector<16xi32>,
    %swap3A_139 = vector.shape_cast %swap3A_138 : vector<16xi32> to vector<16xi32>
    %swap3A_140 = vector.shape_cast %add3A_136 : vector<16xi32> to vector<16xi32>
    tpu.vector_store %arg8[%swap3A_137], %swap3A_140 {strides = array<i32>} : memref<128xi32, #tpu.memory_space<vmem>>, vector<16xi32>,
    %shift_right_logical3A_141 = arith.constant 17 : i32
    %shift_right_logical3A_142 = vector.broadcast %shift_right_logical3A_141 : i32 to vector<16xi32>
    %shift_right_logical3A_143 = arith.shrui %get3A_131, %shift_right_logical3A_142 : vector<16xi32>
    %swap3A_144 = arith.constant 112 : index
    %swap3A_145 = tpu.vector_load %arg10[%swap3A_144] {strides = array<i32>} : memref<128xi32, #tpu.memory_space<vmem>>, vector<16xi32>,
    %swap3A_146 = vector.shape_cast %swap3A_145 : vector<16xi32> to vector<16xi32>
    %swap3A_147 = vector.shape_cast %shift_right_logical3A_143 : vector<16xi32> to vector<16xi32>
    tpu.vector_store %arg10[%swap3A_144], %swap3A_147 {strides = array<i32>} : memref<128xi32, #tpu.memory_space<vmem>>, vector<16xi32>,
    %dma_start3A = arith.constant 0 : i32
    %dma_start3A_148 = arith.constant 0 : i32
    %dma_start3A_149 = tpu.memref_slice %arg2[%dma_start3A, %dma_start3A_148] : memref<20000x128xf32, #tpu.memory_space<hbm>> -> memref<20000x128xf32, #tpu.memory_space<hbm>>
    tpu.enqueue_indirect_dma source(%dma_start3A_149 : memref<20000x128xf32, #tpu.memory_space<hbm>>) target(%arg12 : memref<128x128xf32, #tpu.memory_space<vmem>>) offsets(%arg8 : memref<128xi32, #tpu.memory_space<vmem>>) semaphore(%arg17 : memref<!tpu.dma_semaphore, #tpu.memory_space<semaphore_mem>>)
    %dma_start3A_150 = arith.constant 1 : i32
    %dma_start3A_151 = arith.constant 0 : i32
    %dma_start3A_152 = tpu.memref_slice %arg3[%arg1, %dma_start3A_150, %dma_start3A_151] : memref<16x80x128xi32, #tpu.memory_space<hbm>> -> memref<1x1x128xi32, #tpu.memory_space<hbm>>
    %dma_start3A_153 = tpu.memref_squeeze %dma_start3A_152 : memref<1x1x128xi32, #tpu.memory_space<hbm>> -> memref<128xi32, #tpu.memory_space<hbm>>
    %dma_start3A_154 = arith.constant 0 : i32
    %dma_start3A_155 = tpu.memref_slice %arg3[%arg1, %dma_start3A_150, %dma_start3A_154] : memref<16x80x128xi32, #tpu.memory_space<hbm>> -> memref<1x1x128xi32, #tpu.memory_space<hbm>>
    %dma_start3A_156 = tpu.memref_squeeze %dma_start3A_155 : memref<1x1x128xi32, #tpu.memory_space<hbm>> -> memref<128xi32, #tpu.memory_space<hbm>>
    tpu.enqueue_dma source(%dma_start3A_156 : memref<128xi32, #tpu.memory_space<hbm>>) target(%arg7 : memref<128xi32, #tpu.memory_space<vmem>>) target_semaphore(%arg16 : memref<!tpu.dma_semaphore, #tpu.memory_space<semaphore_mem>>)
    %scan3A = arith.constant 0 : i32
    %scan3A_157 = arith.constant 0 : i32
    %scan3A_158 = arith.constant 39 : i32
    %scan3A_159 = arith.addi %scan3A_157, %scan3A_158 : i32
    %scan3A_160 = arith.constant 1 : i32
    scf.for %scan3A_176 = %scan3A_157 to %scan3A_159 step %scan3A_160  : i32 {
      %mul3A_177 = arith.constant 2 : i32
      %mul3A_178 = arith.muli %mul3A_177, %scan3A_176 : i32
      %add3A_179 = arith.constant 1 : i32
      %add3A_180 = arith.addi %mul3A_178, %add3A_179 : i32
      %dma_wait3A_181 = arith.constant 0 : i32
      %dma_wait3A_182 = tpu.memref_slice %arg3[%arg1, %add3A_180, %dma_wait3A_181] : memref<16x80x128xi32, #tpu.memory_space<hbm>> -> memref<1x1x128xi32, #tpu.memory_space<hbm>>
      %dma_wait3A_183 = tpu.memref_squeeze %dma_wait3A_182 : memref<1x1x128xi32, #tpu.memory_space<hbm>> -> memref<128xi32, #tpu.memory_space<hbm>>
      %dma_wait3A_184 = arith.constant 0 : i32
      %dma_wait3A_185 = tpu.memref_slice %arg3[%arg1, %add3A_180, %dma_wait3A_184] : memref<16x80x128xi32, #tpu.memory_space<hbm>> -> memref<1x1x128xi32, #tpu.memory_space<hbm>>
      %dma_wait3A_186 = tpu.memref_squeeze %dma_wait3A_185 : memref<1x1x128xi32, #tpu.memory_space<hbm>> -> memref<128xi32, #tpu.memory_space<hbm>>
      tpu.wait_dma2 semaphore(%arg16 : memref<!tpu.dma_semaphore, #tpu.memory_space<semaphore_mem>>) src(%dma_wait3A_186 : memref<128xi32, #tpu.memory_space<hbm>>) dst(%arg7 : memref<128xi32, #tpu.memory_space<vmem>>)
      %get3A_187 = arith.constant 0 : index
      %get3A_188 = tpu.vector_load %arg7[%get3A_187] {strides = array<i32>} : memref<128xi32, #tpu.memory_space<vmem>>, vector<16xi32>,
      %get3A_189 = vector.shape_cast %get3A_188 : vector<16xi32> to vector<16xi32>
      %and3A_190 = arith.constant 131071 : i32
      %and3A_191 = vector.broadcast %and3A_190 : i32 to vector<16xi32>
      %and3A_192 = arith.andi %get3A_189, %and3A_191 : vector<16xi32>
      %add3A_193 = vector.broadcast %arg0 : i32 to vector<16xi32>
      %add3A_194 = arith.addi %and3A_192, %add3A_193 : vector<16xi32>
      %swap3A_195 = arith.constant 0 : index
      %swap3A_196 = tpu.vector_load %arg9[%swap3A_195] {strides = array<i32>} : memref<128xi32, #tpu.memory_space<vmem>>, vector<16xi32>,
      %swap3A_197 = vector.shape_cast %swap3A_196 : vector<16xi32> to vector<16xi32>
      %swap3A_198 = vector.shape_cast %add3A_194 : vector<16xi32> to vector<16xi32>
      tpu.vector_store %arg9[%swap3A_195], %swap3A_198 {strides = array<i32>} : memref<128xi32, #tpu.memory_space<vmem>>, vector<16xi32>,
      %shift_right_logical3A_199 = arith.constant 17 : i32
      %shift_right_logical3A_200 = vector.broadcast %shift_right_logical3A_199 : i32 to vector<16xi32>
      %shift_right_logical3A_201 = arith.shrui %get3A_189, %shift_right_logical3A_200 : vector<16xi32>
      %swap3A_202 = arith.constant 0 : index
      %swap3A_203 = tpu.vector_load %arg11[%swap3A_202] {strides = array<i32>} : memref<128xi32, #tpu.memory_space<vmem>>, vector<16xi32>,
      %swap3A_204 = vector.shape_cast %swap3A_203 : vector<16xi32> to vector<16xi32>
      %swap3A_205 = vector.shape_cast %shift_right_logical3A_201 : vector<16xi32> to vector<16xi32>
      tpu.vector_store %arg11[%swap3A_202], %swap3A_205 {strides = array<i32>} : memref<128xi32, #tpu.memory_space<vmem>>, vector<16xi32>,
      %get3A_206 = arith.constant 16 : index
      %get3A_207 = tpu.vector_load %arg7[%get3A_206] {strides = array<i32>} : memref<128xi32, #tpu.memory_space<vmem>>, vector<16xi32>,
      %get3A_208 = vector.shape_cast %get3A_207 : vector<16xi32> to vector<16xi32>
      %and3A_209 = arith.constant 131071 : i32
      %and3A_210 = vector.broadcast %and3A_209 : i32 to vector<16xi32>
      %and3A_211 = arith.andi %get3A_208, %and3A_210 : vector<16xi32>
      %add3A_212 = vector.broadcast %arg0 : i32 to vector<16xi32>
      %add3A_213 = arith.addi %and3A_211, %add3A_212 : vector<16xi32>
      %swap3A_214 = arith.constant 16 : index
      %swap3A_215 = tpu.vector_load %arg9[%swap3A_214] {strides = array<i32>} : memref<128xi32, #tpu.memory_space<vmem>>, vector<16xi32>,
      %swap3A_216 = vector.shape_cast %swap3A_215 : vector<16xi32> to vector<16xi32>
      %swap3A_217 = vector.shape_cast %add3A_213 : vector<16xi32> to vector<16xi32>
      tpu.vector_store %arg9[%swap3A_214], %swap3A_217 {strides = array<i32>} : memref<128xi32, #tpu.memory_space<vmem>>, vector<16xi32>,
      %shift_right_logical3A_218 = arith.constant 17 : i32
      %shift_right_logical3A_219 = vector.broadcast %shift_right_logical3A_218 : i32 to vector<16xi32>
      %shift_right_logical3A_220 = arith.shrui %get3A_208, %shift_right_logical3A_219 : vector<16xi32>
      %swap3A_221 = arith.constant 16 : index
      %swap3A_222 = tpu.vector_load %arg11[%swap3A_221] {strides = array<i32>} : memref<128xi32, #tpu.memory_space<vmem>>, vector<16xi32>,
      %swap3A_223 = vector.shape_cast %swap3A_222 : vector<16xi32> to vector<16xi32>
      %swap3A_224 = vector.shape_cast %shift_right_logical3A_220 : vector<16xi32> to vector<16xi32>
      tpu.vector_store %arg11[%swap3A_221], %swap3A_224 {strides = array<i32>} : memref<128xi32, #tpu.memory_space<vmem>>, vector<16xi32>,
      %get3A_225 = arith.constant 32 : index
      %get3A_226 = tpu.vector_load %arg7[%get3A_225] {strides = array<i32>} : memref<128xi32, #tpu.memory_space<vmem>>, vector<16xi32>,
      %get3A_227 = vector.shape_cast %get3A_226 : vector<16xi32> to vector<16xi32>
      %and3A_228 = arith.constant 131071 : i32
      %and3A_229 = vector.broadcast %and3A_228 : i32 to vector<16xi32>
      %and3A_230 = arith.andi %get3A_227, %and3A_229 : vector<16xi32>
      %add3A_231 = vector.broadcast %arg0 : i32 to vector<16xi32>
      %add3A_232 = arith.addi %and3A_230, %add3A_231 : vector<16xi32>
      %swap3A_233 = arith.constant 32 : index
      %swap3A_234 = tpu.vector_load %arg9[%swap3A_233] {strides = array<i32>} : memref<128xi32, #tpu.memory_space<vmem>>, vector<16xi32>,
      %swap3A_235 = vector.shape_cast %swap3A_234 : vector<16xi32> to vector<16xi32>
      %swap3A_236 = vector.shape_cast %add3A_232 : vector<16xi32> to vector<16xi32>
      tpu.vector_store %arg9[%swap3A_233], %swap3A_236 {strides = array<i32>} : memref<128xi32, #tpu.memory_space<vmem>>, vector<16xi32>,
      %shift_right_logical3A_237 = arith.constant 17 : i32
      %shift_right_logical3A_238 = vector.broadcast %shift_right_logical3A_237 : i32 to vector<16xi32>
      %shift_right_logical3A_239 = arith.shrui %get3A_227, %shift_right_logical3A_238 : vector<16xi32>
      %swap3A_240 = arith.constant 32 : index
      %swap3A_241 = tpu.vector_load %arg11[%swap3A_240] {strides = array<i32>} : memref<128xi32, #tpu.memory_space<vmem>>, vector<16xi32>,
      %swap3A_242 = vector.shape_cast %swap3A_241 : vector<16xi32> to vector<16xi32>
      %swap3A_243 = vector.shape_cast %shift_right_logical3A_239 : vector<16xi32> to vector<16xi32>
      tpu.vector_store %arg11[%swap3A_240], %swap3A_243 {strides = array<i32>} : memref<128xi32, #tpu.memory_space<vmem>>, vector<16xi32>,
      %get3A_244 = arith.constant 48 : index
      %get3A_245 = tpu.vector_load %arg7[%get3A_244] {strides = array<i32>} : memref<128xi32, #tpu.memory_space<vmem>>, vector<16xi32>,
      %get3A_246 = vector.shape_cast %get3A_245 : vector<16xi32> to vector<16xi32>
      %and3A_247 = arith.constant 131071 : i32
      %and3A_248 = vector.broadcast %and3A_247 : i32 to vector<16xi32>
      %and3A_249 = arith.andi %get3A_246, %and3A_248 : vector<16xi32>
      %add3A_250 = vector.broadcast %arg0 : i32 to vector<16xi32>
      %add3A_251 = arith.addi %and3A_249, %add3A_250 : vector<16xi32>
      %swap3A_252 = arith.constant 48 : index
      %swap3A_253 = tpu.vector_load %arg9[%swap3A_252] {strides = array<i32>} : memref<128xi32, #tpu.memory_space<vmem>>, vector<16xi32>,
      %swap3A_254 = vector.shape_cast %swap3A_253 : vector<16xi32> to vector<16xi32>
      %swap3A_255 = vector.shape_cast %add3A_251 : vector<16xi32> to vector<16xi32>
      tpu.vector_store %arg9[%swap3A_252], %swap3A_255 {strides = array<i32>} : memref<128xi32, #tpu.memory_space<vmem>>, vector<16xi32>,
      %shift_right_logical3A_256 = arith.constant 17 : i32
      %shift_right_logical3A_257 = vector.broadcast %shift_right_logical3A_256 : i32 to vector<16xi32>
      %shift_right_logical3A_258 = arith.shrui %get3A_246, %shift_right_logical3A_257 : vector<16xi32>
      %swap3A_259 = arith.constant 48 : index
      %swap3A_260 = tpu.vector_load %arg11[%swap3A_259] {strides = array<i32>} : memref<128xi32, #tpu.memory_space<vmem>>, vector<16xi32>,
      %swap3A_261 = vector.shape_cast %swap3A_260 : vector<16xi32> to vector<16xi32>
      %swap3A_262 = vector.shape_cast %shift_right_logical3A_258 : vector<16xi32> to vector<16xi32>
      tpu.vector_store %arg11[%swap3A_259], %swap3A_262 {strides = array<i32>} : memref<128xi32, #tpu.memory_space<vmem>>, vector<16xi32>,
      %get3A_263 = arith.constant 64 : index
      %get3A_264 = tpu.vector_load %arg7[%get3A_263] {strides = array<i32>} : memref<128xi32, #tpu.memory_space<vmem>>, vector<16xi32>,
      %get3A_265 = vector.shape_cast %get3A_264 : vector<16xi32> to vector<16xi32>
      %and3A_266 = arith.constant 131071 : i32
      %and3A_267 = vector.broadcast %and3A_266 : i32 to vector<16xi32>
      %and3A_268 = arith.andi %get3A_265, %and3A_267 : vector<16xi32>
      %add3A_269 = vector.broadcast %arg0 : i32 to vector<16xi32>
      %add3A_270 = arith.addi %and3A_268, %add3A_269 : vector<16xi32>
      %swap3A_271 = arith.constant 64 : index
      %swap3A_272 = tpu.vector_load %arg9[%swap3A_271] {strides = array<i32>} : memref<128xi32, #tpu.memory_space<vmem>>, vector<16xi32>,
      %swap3A_273 = vector.shape_cast %swap3A_272 : vector<16xi32> to vector<16xi32>
      %swap3A_274 = vector.shape_cast %add3A_270 : vector<16xi32> to vector<16xi32>
      tpu.vector_store %arg9[%swap3A_271], %swap3A_274 {strides = array<i32>} : memref<128xi32, #tpu.memory_space<vmem>>, vector<16xi32>,
      %shift_right_logical3A_275 = arith.constant 17 : i32
      %shift_right_logical3A_276 = vector.broadcast %shift_right_logical3A_275 : i32 to vector<16xi32>
      %shift_right_logical3A_277 = arith.shrui %get3A_265, %shift_right_logical3A_276 : vector<16xi32>
      %swap3A_278 = arith.constant 64 : index
      %swap3A_279 = tpu.vector_load %arg11[%swap3A_278] {strides = array<i32>} : memref<128xi32, #tpu.memory_space<vmem>>, vector<16xi32>,
      %swap3A_280 = vector.shape_cast %swap3A_279 : vector<16xi32> to vector<16xi32>
      %swap3A_281 = vector.shape_cast %shift_right_logical3A_277 : vector<16xi32> to vector<16xi32>
      tpu.vector_store %arg11[%swap3A_278], %swap3A_281 {strides = array<i32>} : memref<128xi32, #tpu.memory_space<vmem>>, vector<16xi32>,
      %get3A_282 = arith.constant 80 : index
      %get3A_283 = tpu.vector_load %arg7[%get3A_282] {strides = array<i32>} : memref<128xi32, #tpu.memory_space<vmem>>, vector<16xi32>,
      %get3A_284 = vector.shape_cast %get3A_283 : vector<16xi32> to vector<16xi32>
      %and3A_285 = arith.constant 131071 : i32
      %and3A_286 = vector.broadcast %and3A_285 : i32 to vector<16xi32>
      %and3A_287 = arith.andi %get3A_284, %and3A_286 : vector<16xi32>
      %add3A_288 = vector.broadcast %arg0 : i32 to vector<16xi32>
      %add3A_289 = arith.addi %and3A_287, %add3A_288 : vector<16xi32>
      %swap3A_290 = arith.constant 80 : index
      %swap3A_291 = tpu.vector_load %arg9[%swap3A_290] {strides = array<i32>} : memref<128xi32, #tpu.memory_space<vmem>>, vector<16xi32>,
      %swap3A_292 = vector.shape_cast %swap3A_291 : vector<16xi32> to vector<16xi32>
      %swap3A_293 = vector.shape_cast %add3A_289 : vector<16xi32> to vector<16xi32>
      tpu.vector_store %arg9[%swap3A_290], %swap3A_293 {strides = array<i32>} : memref<128xi32, #tpu.memory_space<vmem>>, vector<16xi32>,
      %shift_right_logical3A_294 = arith.constant 17 : i32
      %shift_right_logical3A_295 = vector.broadcast %shift_right_logical3A_294 : i32 to vector<16xi32>
      %shift_right_logical3A_296 = arith.shrui %get3A_284, %shift_right_logical3A_295 : vector<16xi32>
      %swap3A_297 = arith.constant 80 : index
      %swap3A_298 = tpu.vector_load %arg11[%swap3A_297] {strides = array<i32>} : memref<128xi32, #tpu.memory_space<vmem>>, vector<16xi32>,
      %swap3A_299 = vector.shape_cast %swap3A_298 : vector<16xi32> to vector<16xi32>
      %swap3A_300 = vector.shape_cast %shift_right_logical3A_296 : vector<16xi32> to vector<16xi32>
      tpu.vector_store %arg11[%swap3A_297], %swap3A_300 {strides = array<i32>} : memref<128xi32, #tpu.memory_space<vmem>>, vector<16xi32>,
      %get3A_301 = arith.constant 96 : index
      %get3A_302 = tpu.vector_load %arg7[%get3A_301] {strides = array<i32>} : memref<128xi32, #tpu.memory_space<vmem>>, vector<16xi32>,
      %get3A_303 = vector.shape_cast %get3A_302 : vector<16xi32> to vector<16xi32>
      %and3A_304 = arith.constant 131071 : i32
      %and3A_305 = vector.broadcast %and3A_304 : i32 to vector<16xi32>
      %and3A_306 = arith.andi %get3A_303, %and3A_305 : vector<16xi32>
      %add3A_307 = vector.broadcast %arg0 : i32 to vector<16xi32>
      %add3A_308 = arith.addi %and3A_306, %add3A_307 : vector<16xi32>
      %swap3A_309 = arith.constant 96 : index
      %swap3A_310 = tpu.vector_load %arg9[%swap3A_309] {strides = array<i32>} : memref<128xi32, #tpu.memory_space<vmem>>, vector<16xi32>,
      %swap3A_311 = vector.shape_cast %swap3A_310 : vector<16xi32> to vector<16xi32>
      %swap3A_312 = vector.shape_cast %add3A_308 : vector<16xi32> to vector<16xi32>
      tpu.vector_store %arg9[%swap3A_309], %swap3A_312 {strides = array<i32>} : memref<128xi32, #tpu.memory_space<vmem>>, vector<16xi32>,
      %shift_right_logical3A_313 = arith.constant 17 : i32
      %shift_right_logical3A_314 = vector.broadcast %shift_right_logical3A_313 : i32 to vector<16xi32>
      %shift_right_logical3A_315 = arith.shrui %get3A_303, %shift_right_logical3A_314 : vector<16xi32>
      %swap3A_316 = arith.constant 96 : index
      %swap3A_317 = tpu.vector_load %arg11[%swap3A_316] {strides = array<i32>} : memref<128xi32, #tpu.memory_space<vmem>>, vector<16xi32>,
      %swap3A_318 = vector.shape_cast %swap3A_317 : vector<16xi32> to vector<16xi32>
      %swap3A_319 = vector.shape_cast %shift_right_logical3A_315 : vector<16xi32> to vector<16xi32>
      tpu.vector_store %arg11[%swap3A_316], %swap3A_319 {strides = array<i32>} : memref<128xi32, #tpu.memory_space<vmem>>, vector<16xi32>,
      %get3A_320 = arith.constant 112 : index
      %get3A_321 = tpu.vector_load %arg7[%get3A_320] {strides = array<i32>} : memref<128xi32, #tpu.memory_space<vmem>>, vector<16xi32>,
      %get3A_322 = vector.shape_cast %get3A_321 : vector<16xi32> to vector<16xi32>
      %and3A_323 = arith.constant 131071 : i32
      %and3A_324 = vector.broadcast %and3A_323 : i32 to vector<16xi32>
      %and3A_325 = arith.andi %get3A_322, %and3A_324 : vector<16xi32>
      %add3A_326 = vector.broadcast %arg0 : i32 to vector<16xi32>
      %add3A_327 = arith.addi %and3A_325, %add3A_326 : vector<16xi32>
      %swap3A_328 = arith.constant 112 : index
      %swap3A_329 = tpu.vector_load %arg9[%swap3A_328] {strides = array<i32>} : memref<128xi32, #tpu.memory_space<vmem>>, vector<16xi32>,
      %swap3A_330 = vector.shape_cast %swap3A_329 : vector<16xi32> to vector<16xi32>
      %swap3A_331 = vector.shape_cast %add3A_327 : vector<16xi32> to vector<16xi32>
      tpu.vector_store %arg9[%swap3A_328], %swap3A_331 {strides = array<i32>} : memref<128xi32, #tpu.memory_space<vmem>>, vector<16xi32>,
      %shift_right_logical3A_332 = arith.constant 17 : i32
      %shift_right_logical3A_333 = vector.broadcast %shift_right_logical3A_332 : i32 to vector<16xi32>
      %shift_right_logical3A_334 = arith.shrui %get3A_322, %shift_right_logical3A_333 : vector<16xi32>
      %swap3A_335 = arith.constant 112 : index
      %swap3A_336 = tpu.vector_load %arg11[%swap3A_335] {strides = array<i32>} : memref<128xi32, #tpu.memory_space<vmem>>, vector<16xi32>,
      %swap3A_337 = vector.shape_cast %swap3A_336 : vector<16xi32> to vector<16xi32>
      %swap3A_338 = vector.shape_cast %shift_right_logical3A_334 : vector<16xi32> to vector<16xi32>
      tpu.vector_store %arg11[%swap3A_335], %swap3A_338 {strides = array<i32>} : memref<128xi32, #tpu.memory_space<vmem>>, vector<16xi32>,
      %dma_start3A_339 = arith.constant 0 : i32
      %dma_start3A_340 = arith.constant 0 : i32
      %dma_start3A_341 = tpu.memref_slice %arg2[%dma_start3A_339, %dma_start3A_340] : memref<20000x128xf32, #tpu.memory_space<hbm>> -> memref<20000x128xf32, #tpu.memory_space<hbm>>
      tpu.enqueue_indirect_dma source(%dma_start3A_341 : memref<20000x128xf32, #tpu.memory_space<hbm>>) target(%arg13 : memref<128x128xf32, #tpu.memory_space<vmem>>) offsets(%arg9 : memref<128xi32, #tpu.memory_space<vmem>>) semaphore(%arg18 : memref<!tpu.dma_semaphore, #tpu.memory_space<semaphore_mem>>)
      %add3A_342 = arith.constant 2 : i32
      %add3A_343 = arith.addi %mul3A_178, %add3A_342 : i32
      %dma_start3A_344 = arith.constant 0 : i32
      %dma_start3A_345 = tpu.memref_slice %arg3[%arg1, %add3A_343, %dma_start3A_344] : memref<16x80x128xi32, #tpu.memory_space<hbm>> -> memref<1x1x128xi32, #tpu.memory_space<hbm>>
      %dma_start3A_346 = tpu.memref_squeeze %dma_start3A_345 : memref<1x1x128xi32, #tpu.memory_space<hbm>> -> memref<128xi32, #tpu.memory_space<hbm>>
      %dma_start3A_347 = arith.constant 0 : i32
      %dma_start3A_348 = tpu.memref_slice %arg3[%arg1, %add3A_343, %dma_start3A_347] : memref<16x80x128xi32, #tpu.memory_space<hbm>> -> memref<1x1x128xi32, #tpu.memory_space<hbm>>
      %dma_start3A_349 = tpu.memref_squeeze %dma_start3A_348 : memref<1x1x128xi32, #tpu.memory_space<hbm>> -> memref<128xi32, #tpu.memory_space<hbm>>
      tpu.enqueue_dma source(%dma_start3A_349 : memref<128xi32, #tpu.memory_space<hbm>>) target(%arg6 : memref<128xi32, #tpu.memory_space<vmem>>) target_semaphore(%arg15 : memref<!tpu.dma_semaphore, #tpu.memory_space<semaphore_mem>>)
      %dma_wait3A_350 = arith.constant 0 : i32
      %dma_wait3A_351 = arith.constant 0 : i32
      %dma_wait3A_352 = tpu.memref_slice %arg2[%dma_wait3A_350, %dma_wait3A_351] : memref<20000x128xf32, #tpu.memory_space<hbm>> -> memref<20000x128xf32, #tpu.memory_space<hbm>>
      tpu.wait_indirect_dma semaphore(%arg17 : memref<!tpu.dma_semaphore, #tpu.memory_space<semaphore_mem>>) src(%dma_wait3A_352 : memref<20000x128xf32, #tpu.memory_space<hbm>>) dst(%arg12 : memref<128x128xf32, #tpu.memory_space<vmem>>)
      "tpu.region"() ({
        %run_scoped3A_529 = tpu.sem_alloc : memref<!tpu.dma_semaphore, #tpu.memory_space<semaphore_mem>>
        %dma_start3A_530 = arith.constant 0 : i32
        %dma_start3A_531 = arith.constant 0 : i32
        %dma_start3A_532 = tpu.memref_slice %arg14[%dma_start3A_530, %dma_start3A_531] : memref<10112x128xf32, #tpu.memory_space<vmem_shared>> -> memref<10112x128xf32, #tpu.memory_space<vmem_shared>>
        tpu.enqueue_indirect_dma source(%arg12 : memref<128x128xf32, #tpu.memory_space<vmem>>) target(%dma_start3A_532 : memref<10112x128xf32, #tpu.memory_space<vmem_shared>>) offsets(%arg10 : memref<128xi32, #tpu.memory_space<vmem>>) semaphore(%run_scoped3A_529 : memref<!tpu.dma_semaphore, #tpu.memory_space<semaphore_mem>>) {add = true}
        %dma_wait3A_533 = arith.constant 0 : i32
        %dma_wait3A_534 = arith.constant 0 : i32
        %dma_wait3A_535 = tpu.memref_slice %arg14[%dma_wait3A_533, %dma_wait3A_534] : memref<10112x128xf32, #tpu.memory_space<vmem_shared>> -> memref<10112x128xf32, #tpu.memory_space<vmem_shared>>
        tpu.wait_indirect_dma semaphore(%run_scoped3A_529 : memref<!tpu.dma_semaphore, #tpu.memory_space<semaphore_mem>>) src(%arg12 : memref<128x128xf32, #tpu.memory_space<vmem>>) dst(%dma_wait3A_535 : memref<10112x128xf32, #tpu.memory_space<vmem_shared>>)
        tpu.yield
      }) : () -> ()
      %add3A_353 = arith.constant 1 : i32
      %add3A_354 = arith.addi %mul3A_178, %add3A_353 : i32
      %add3A_355 = arith.constant 1 : i32
      %add3A_356 = arith.addi %add3A_354, %add3A_355 : i32
      %dma_wait3A_357 = arith.constant 0 : i32
      %dma_wait3A_358 = tpu.memref_slice %arg3[%arg1, %add3A_356, %dma_wait3A_357] : memref<16x80x128xi32, #tpu.memory_space<hbm>> -> memref<1x1x128xi32, #tpu.memory_space<hbm>>
      %dma_wait3A_359 = tpu.memref_squeeze %dma_wait3A_358 : memref<1x1x128xi32, #tpu.memory_space<hbm>> -> memref<128xi32, #tpu.memory_space<hbm>>
      %dma_wait3A_360 = arith.constant 0 : i32
      %dma_wait3A_361 = tpu.memref_slice %arg3[%arg1, %add3A_356, %dma_wait3A_360] : memref<16x80x128xi32, #tpu.memory_space<hbm>> -> memref<1x1x128xi32, #tpu.memory_space<hbm>>
      %dma_wait3A_362 = tpu.memref_squeeze %dma_wait3A_361 : memref<1x1x128xi32, #tpu.memory_space<hbm>> -> memref<128xi32, #tpu.memory_space<hbm>>
      tpu.wait_dma2 semaphore(%arg15 : memref<!tpu.dma_semaphore, #tpu.memory_space<semaphore_mem>>) src(%dma_wait3A_362 : memref<128xi32, #tpu.memory_space<hbm>>) dst(%arg6 : memref<128xi32, #tpu.memory_space<vmem>>)
      %get3A_363 = arith.constant 0 : index
      %get3A_364 = tpu.vector_load %arg6[%get3A_363] {strides = array<i32>} : memref<128xi32, #tpu.memory_space<vmem>>, vector<16xi32>,
      %get3A_365 = vector.shape_cast %get3A_364 : vector<16xi32> to vector<16xi32>
      %and3A_366 = arith.constant 131071 : i32
      %and3A_367 = vector.broadcast %and3A_366 : i32 to vector<16xi32>
      %and3A_368 = arith.andi %get3A_365, %and3A_367 : vector<16xi32>
      %add3A_369 = vector.broadcast %arg0 : i32 to vector<16xi32>
      %add3A_370 = arith.addi %and3A_368, %add3A_369 : vector<16xi32>
      %swap3A_371 = arith.constant 0 : index
      %swap3A_372 = tpu.vector_load %arg8[%swap3A_371] {strides = array<i32>} : memref<128xi32, #tpu.memory_space<vmem>>, vector<16xi32>,
      %swap3A_373 = vector.shape_cast %swap3A_372 : vector<16xi32> to vector<16xi32>
      %swap3A_374 = vector.shape_cast %add3A_370 : vector<16xi32> to vector<16xi32>
      tpu.vector_store %arg8[%swap3A_371], %swap3A_374 {strides = array<i32>} : memref<128xi32, #tpu.memory_space<vmem>>, vector<16xi32>,
      %shift_right_logical3A_375 = arith.constant 17 : i32
      %shift_right_logical3A_376 = vector.broadcast %shift_right_logical3A_375 : i32 to vector<16xi32>
      %shift_right_logical3A_377 = arith.shrui %get3A_365, %shift_right_logical3A_376 : vector<16xi32>
      %swap3A_378 = arith.constant 0 : index
      %swap3A_379 = tpu.vector_load %arg10[%swap3A_378] {strides = array<i32>} : memref<128xi32, #tpu.memory_space<vmem>>, vector<16xi32>,
      %swap3A_380 = vector.shape_cast %swap3A_379 : vector<16xi32> to vector<16xi32>
      %swap3A_381 = vector.shape_cast %shift_right_logical3A_377 : vector<16xi32> to vector<16xi32>
      tpu.vector_store %arg10[%swap3A_378], %swap3A_381 {strides = array<i32>} : memref<128xi32, #tpu.memory_space<vmem>>, vector<16xi32>,
      %get3A_382 = arith.constant 16 : index
      %get3A_383 = tpu.vector_load %arg6[%get3A_382] {strides = array<i32>} : memref<128xi32, #tpu.memory_space<vmem>>, vector<16xi32>,
      %get3A_384 = vector.shape_cast %get3A_383 : vector<16xi32> to vector<16xi32>
      %and3A_385 = arith.constant 131071 : i32
      %and3A_386 = vector.broadcast %and3A_385 : i32 to vector<16xi32>
      %and3A_387 = arith.andi %get3A_384, %and3A_386 : vector<16xi32>
      %add3A_388 = vector.broadcast %arg0 : i32 to vector<16xi32>
      %add3A_389 = arith.addi %and3A_387, %add3A_388 : vector<16xi32>
      %swap3A_390 = arith.constant 16 : index
      %swap3A_391 = tpu.vector_load %arg8[%swap3A_390] {strides = array<i32>} : memref<128xi32, #tpu.memory_space<vmem>>, vector<16xi32>,
      %swap3A_392 = vector.shape_cast %swap3A_391 : vector<16xi32> to vector<16xi32>
      %swap3A_393 = vector.shape_cast %add3A_389 : vector<16xi32> to vector<16xi32>
      tpu.vector_store %arg8[%swap3A_390], %swap3A_393 {strides = array<i32>} : memref<128xi32, #tpu.memory_space<vmem>>, vector<16xi32>,
      %shift_right_logical3A_394 = arith.constant 17 : i32
      %shift_right_logical3A_395 = vector.broadcast %shift_right_logical3A_394 : i32 to vector<16xi32>
      %shift_right_logical3A_396 = arith.shrui %get3A_384, %shift_right_logical3A_395 : vector<16xi32>
      %swap3A_397 = arith.constant 16 : index
      %swap3A_398 = tpu.vector_load %arg10[%swap3A_397] {strides = array<i32>} : memref<128xi32, #tpu.memory_space<vmem>>, vector<16xi32>,
      %swap3A_399 = vector.shape_cast %swap3A_398 : vector<16xi32> to vector<16xi32>
      %swap3A_400 = vector.shape_cast %shift_right_logical3A_396 : vector<16xi32> to vector<16xi32>
      tpu.vector_store %arg10[%swap3A_397], %swap3A_400 {strides = array<i32>} : memref<128xi32, #tpu.memory_space<vmem>>, vector<16xi32>,
      %get3A_401 = arith.constant 32 : index
      %get3A_402 = tpu.vector_load %arg6[%get3A_401] {strides = array<i32>} : memref<128xi32, #tpu.memory_space<vmem>>, vector<16xi32>,
      %get3A_403 = vector.shape_cast %get3A_402 : vector<16xi32> to vector<16xi32>
      %and3A_404 = arith.constant 131071 : i32
      %and3A_405 = vector.broadcast %and3A_404 : i32 to vector<16xi32>
      %and3A_406 = arith.andi %get3A_403, %and3A_405 : vector<16xi32>
      %add3A_407 = vector.broadcast %arg0 : i32 to vector<16xi32>
      %add3A_408 = arith.addi %and3A_406, %add3A_407 : vector<16xi32>
      %swap3A_409 = arith.constant 32 : index
      %swap3A_410 = tpu.vector_load %arg8[%swap3A_409] {strides = array<i32>} : memref<128xi32, #tpu.memory_space<vmem>>, vector<16xi32>,
      %swap3A_411 = vector.shape_cast %swap3A_410 : vector<16xi32> to vector<16xi32>
      %swap3A_412 = vector.shape_cast %add3A_408 : vector<16xi32> to vector<16xi32>
      tpu.vector_store %arg8[%swap3A_409], %swap3A_412 {strides = array<i32>} : memref<128xi32, #tpu.memory_space<vmem>>, vector<16xi32>,
      %shift_right_logical3A_413 = arith.constant 17 : i32
      %shift_right_logical3A_414 = vector.broadcast %shift_right_logical3A_413 : i32 to vector<16xi32>
      %shift_right_logical3A_415 = arith.shrui %get3A_403, %shift_right_logical3A_414 : vector<16xi32>
      %swap3A_416 = arith.constant 32 : index
      %swap3A_417 = tpu.vector_load %arg10[%swap3A_416] {strides = array<i32>} : memref<128xi32, #tpu.memory_space<vmem>>, vector<16xi32>,
      %swap3A_418 = vector.shape_cast %swap3A_417 : vector<16xi32> to vector<16xi32>
      %swap3A_419 = vector.shape_cast %shift_right_logical3A_415 : vector<16xi32> to vector<16xi32>
      tpu.vector_store %arg10[%swap3A_416], %swap3A_419 {strides = array<i32>} : memref<128xi32, #tpu.memory_space<vmem>>, vector<16xi32>,
      %get3A_420 = arith.constant 48 : index
      %get3A_421 = tpu.vector_load %arg6[%get3A_420] {strides = array<i32>} : memref<128xi32, #tpu.memory_space<vmem>>, vector<16xi32>,
      %get3A_422 = vector.shape_cast %get3A_421 : vector<16xi32> to vector<16xi32>
      %and3A_423 = arith.constant 131071 : i32
      %and3A_424 = vector.broadcast %and3A_423 : i32 to vector<16xi32>
      %and3A_425 = arith.andi %get3A_422, %and3A_424 : vector<16xi32>
      %add3A_426 = vector.broadcast %arg0 : i32 to vector<16xi32>
      %add3A_427 = arith.addi %and3A_425, %add3A_426 : vector<16xi32>
      %swap3A_428 = arith.constant 48 : index
      %swap3A_429 = tpu.vector_load %arg8[%swap3A_428] {strides = array<i32>} : memref<128xi32, #tpu.memory_space<vmem>>, vector<16xi32>,
      %swap3A_430 = vector.shape_cast %swap3A_429 : vector<16xi32> to vector<16xi32>
      %swap3A_431 = vector.shape_cast %add3A_427 : vector<16xi32> to vector<16xi32>
      tpu.vector_store %arg8[%swap3A_428], %swap3A_431 {strides = array<i32>} : memref<128xi32, #tpu.memory_space<vmem>>, vector<16xi32>,
      %shift_right_logical3A_432 = arith.constant 17 : i32
      %shift_right_logical3A_433 = vector.broadcast %shift_right_logical3A_432 : i32 to vector<16xi32>
      %shift_right_logical3A_434 = arith.shrui %get3A_422, %shift_right_logical3A_433 : vector<16xi32>
      %swap3A_435 = arith.constant 48 : index
      %swap3A_436 = tpu.vector_load %arg10[%swap3A_435] {strides = array<i32>} : memref<128xi32, #tpu.memory_space<vmem>>, vector<16xi32>,
      %swap3A_437 = vector.shape_cast %swap3A_436 : vector<16xi32> to vector<16xi32>
      %swap3A_438 = vector.shape_cast %shift_right_logical3A_434 : vector<16xi32> to vector<16xi32>
      tpu.vector_store %arg10[%swap3A_435], %swap3A_438 {strides = array<i32>} : memref<128xi32, #tpu.memory_space<vmem>>, vector<16xi32>,
      %get3A_439 = arith.constant 64 : index
      %get3A_440 = tpu.vector_load %arg6[%get3A_439] {strides = array<i32>} : memref<128xi32, #tpu.memory_space<vmem>>, vector<16xi32>,
      %get3A_441 = vector.shape_cast %get3A_440 : vector<16xi32> to vector<16xi32>
      %and3A_442 = arith.constant 131071 : i32
      %and3A_443 = vector.broadcast %and3A_442 : i32 to vector<16xi32>
      %and3A_444 = arith.andi %get3A_441, %and3A_443 : vector<16xi32>
      %add3A_445 = vector.broadcast %arg0 : i32 to vector<16xi32>
      %add3A_446 = arith.addi %and3A_444, %add3A_445 : vector<16xi32>
      %swap3A_447 = arith.constant 64 : index
      %swap3A_448 = tpu.vector_load %arg8[%swap3A_447] {strides = array<i32>} : memref<128xi32, #tpu.memory_space<vmem>>, vector<16xi32>,
      %swap3A_449 = vector.shape_cast %swap3A_448 : vector<16xi32> to vector<16xi32>
      %swap3A_450 = vector.shape_cast %add3A_446 : vector<16xi32> to vector<16xi32>
      tpu.vector_store %arg8[%swap3A_447], %swap3A_450 {strides = array<i32>} : memref<128xi32, #tpu.memory_space<vmem>>, vector<16xi32>,
      %shift_right_logical3A_451 = arith.constant 17 : i32
      %shift_right_logical3A_452 = vector.broadcast %shift_right_logical3A_451 : i32 to vector<16xi32>
      %shift_right_logical3A_453 = arith.shrui %get3A_441, %shift_right_logical3A_452 : vector<16xi32>
      %swap3A_454 = arith.constant 64 : index
      %swap3A_455 = tpu.vector_load %arg10[%swap3A_454] {strides = array<i32>} : memref<128xi32, #tpu.memory_space<vmem>>, vector<16xi32>,
      %swap3A_456 = vector.shape_cast %swap3A_455 : vector<16xi32> to vector<16xi32>
      %swap3A_457 = vector.shape_cast %shift_right_logical3A_453 : vector<16xi32> to vector<16xi32>
      tpu.vector_store %arg10[%swap3A_454], %swap3A_457 {strides = array<i32>} : memref<128xi32, #tpu.memory_space<vmem>>, vector<16xi32>,
      %get3A_458 = arith.constant 80 : index
      %get3A_459 = tpu.vector_load %arg6[%get3A_458] {strides = array<i32>} : memref<128xi32, #tpu.memory_space<vmem>>, vector<16xi32>,
      %get3A_460 = vector.shape_cast %get3A_459 : vector<16xi32> to vector<16xi32>
      %and3A_461 = arith.constant 131071 : i32
      %and3A_462 = vector.broadcast %and3A_461 : i32 to vector<16xi32>
      %and3A_463 = arith.andi %get3A_460, %and3A_462 : vector<16xi32>
      %add3A_464 = vector.broadcast %arg0 : i32 to vector<16xi32>
      %add3A_465 = arith.addi %and3A_463, %add3A_464 : vector<16xi32>
      %swap3A_466 = arith.constant 80 : index
      %swap3A_467 = tpu.vector_load %arg8[%swap3A_466] {strides = array<i32>} : memref<128xi32, #tpu.memory_space<vmem>>, vector<16xi32>,
      %swap3A_468 = vector.shape_cast %swap3A_467 : vector<16xi32> to vector<16xi32>
      %swap3A_469 = vector.shape_cast %add3A_465 : vector<16xi32> to vector<16xi32>
      tpu.vector_store %arg8[%swap3A_466], %swap3A_469 {strides = array<i32>} : memref<128xi32, #tpu.memory_space<vmem>>, vector<16xi32>,
      %shift_right_logical3A_470 = arith.constant 17 : i32
      %shift_right_logical3A_471 = vector.broadcast %shift_right_logical3A_470 : i32 to vector<16xi32>
      %shift_right_logical3A_472 = arith.shrui %get3A_460, %shift_right_logical3A_471 : vector<16xi32>
      %swap3A_473 = arith.constant 80 : index
      %swap3A_474 = tpu.vector_load %arg10[%swap3A_473] {strides = array<i32>} : memref<128xi32, #tpu.memory_space<vmem>>, vector<16xi32>,
      %swap3A_475 = vector.shape_cast %swap3A_474 : vector<16xi32> to vector<16xi32>
      %swap3A_476 = vector.shape_cast %shift_right_logical3A_472 : vector<16xi32> to vector<16xi32>
      tpu.vector_store %arg10[%swap3A_473], %swap3A_476 {strides = array<i32>} : memref<128xi32, #tpu.memory_space<vmem>>, vector<16xi32>,
      %get3A_477 = arith.constant 96 : index
      %get3A_478 = tpu.vector_load %arg6[%get3A_477] {strides = array<i32>} : memref<128xi32, #tpu.memory_space<vmem>>, vector<16xi32>,
      %get3A_479 = vector.shape_cast %get3A_478 : vector<16xi32> to vector<16xi32>
      %and3A_480 = arith.constant 131071 : i32
      %and3A_481 = vector.broadcast %and3A_480 : i32 to vector<16xi32>
      %and3A_482 = arith.andi %get3A_479, %and3A_481 : vector<16xi32>
      %add3A_483 = vector.broadcast %arg0 : i32 to vector<16xi32>
      %add3A_484 = arith.addi %and3A_482, %add3A_483 : vector<16xi32>
      %swap3A_485 = arith.constant 96 : index
      %swap3A_486 = tpu.vector_load %arg8[%swap3A_485] {strides = array<i32>} : memref<128xi32, #tpu.memory_space<vmem>>, vector<16xi32>,
      %swap3A_487 = vector.shape_cast %swap3A_486 : vector<16xi32> to vector<16xi32>
      %swap3A_488 = vector.shape_cast %add3A_484 : vector<16xi32> to vector<16xi32>
      tpu.vector_store %arg8[%swap3A_485], %swap3A_488 {strides = array<i32>} : memref<128xi32, #tpu.memory_space<vmem>>, vector<16xi32>,
      %shift_right_logical3A_489 = arith.constant 17 : i32
      %shift_right_logical3A_490 = vector.broadcast %shift_right_logical3A_489 : i32 to vector<16xi32>
      %shift_right_logical3A_491 = arith.shrui %get3A_479, %shift_right_logical3A_490 : vector<16xi32>
      %swap3A_492 = arith.constant 96 : index
      %swap3A_493 = tpu.vector_load %arg10[%swap3A_492] {strides = array<i32>} : memref<128xi32, #tpu.memory_space<vmem>>, vector<16xi32>,
      %swap3A_494 = vector.shape_cast %swap3A_493 : vector<16xi32> to vector<16xi32>
      %swap3A_495 = vector.shape_cast %shift_right_logical3A_491 : vector<16xi32> to vector<16xi32>
      tpu.vector_store %arg10[%swap3A_492], %swap3A_495 {strides = array<i32>} : memref<128xi32, #tpu.memory_space<vmem>>, vector<16xi32>,
      %get3A_496 = arith.constant 112 : index
      %get3A_497 = tpu.vector_load %arg6[%get3A_496] {strides = array<i32>} : memref<128xi32, #tpu.memory_space<vmem>>, vector<16xi32>,
      %get3A_498 = vector.shape_cast %get3A_497 : vector<16xi32> to vector<16xi32>
      %and3A_499 = arith.constant 131071 : i32
      %and3A_500 = vector.broadcast %and3A_499 : i32 to vector<16xi32>
      %and3A_501 = arith.andi %get3A_498, %and3A_500 : vector<16xi32>
      %add3A_502 = vector.broadcast %arg0 : i32 to vector<16xi32>
      %add3A_503 = arith.addi %and3A_501, %add3A_502 : vector<16xi32>
      %swap3A_504 = arith.constant 112 : index
      %swap3A_505 = tpu.vector_load %arg8[%swap3A_504] {strides = array<i32>} : memref<128xi32, #tpu.memory_space<vmem>>, vector<16xi32>,
      %swap3A_506 = vector.shape_cast %swap3A_505 : vector<16xi32> to vector<16xi32>
      %swap3A_507 = vector.shape_cast %add3A_503 : vector<16xi32> to vector<16xi32>
      tpu.vector_store %arg8[%swap3A_504], %swap3A_507 {strides = array<i32>} : memref<128xi32, #tpu.memory_space<vmem>>, vector<16xi32>,
      %shift_right_logical3A_508 = arith.constant 17 : i32
      %shift_right_logical3A_509 = vector.broadcast %shift_right_logical3A_508 : i32 to vector<16xi32>
      %shift_right_logical3A_510 = arith.shrui %get3A_498, %shift_right_logical3A_509 : vector<16xi32>
      %swap3A_511 = arith.constant 112 : index
      %swap3A_512 = tpu.vector_load %arg10[%swap3A_511] {strides = array<i32>} : memref<128xi32, #tpu.memory_space<vmem>>, vector<16xi32>,
      %swap3A_513 = vector.shape_cast %swap3A_512 : vector<16xi32> to vector<16xi32>
      %swap3A_514 = vector.shape_cast %shift_right_logical3A_510 : vector<16xi32> to vector<16xi32>
      tpu.vector_store %arg10[%swap3A_511], %swap3A_514 {strides = array<i32>} : memref<128xi32, #tpu.memory_space<vmem>>, vector<16xi32>,
      %dma_start3A_515 = arith.constant 0 : i32
      %dma_start3A_516 = arith.constant 0 : i32
      %dma_start3A_517 = tpu.memref_slice %arg2[%dma_start3A_515, %dma_start3A_516] : memref<20000x128xf32, #tpu.memory_space<hbm>> -> memref<20000x128xf32, #tpu.memory_space<hbm>>
      tpu.enqueue_indirect_dma source(%dma_start3A_517 : memref<20000x128xf32, #tpu.memory_space<hbm>>) target(%arg12 : memref<128x128xf32, #tpu.memory_space<vmem>>) offsets(%arg8 : memref<128xi32, #tpu.memory_space<vmem>>) semaphore(%arg17 : memref<!tpu.dma_semaphore, #tpu.memory_space<semaphore_mem>>)
      %add3A_518 = arith.constant 2 : i32
      %add3A_519 = arith.addi %add3A_354, %add3A_518 : i32
      %dma_start3A_520 = arith.constant 0 : i32
      %dma_start3A_521 = tpu.memref_slice %arg3[%arg1, %add3A_519, %dma_start3A_520] : memref<16x80x128xi32, #tpu.memory_space<hbm>> -> memref<1x1x128xi32, #tpu.memory_space<hbm>>
      %dma_start3A_522 = tpu.memref_squeeze %dma_start3A_521 : memref<1x1x128xi32, #tpu.memory_space<hbm>> -> memref<128xi32, #tpu.memory_space<hbm>>
      %dma_start3A_523 = arith.constant 0 : i32
      %dma_start3A_524 = tpu.memref_slice %arg3[%arg1, %add3A_519, %dma_start3A_523] : memref<16x80x128xi32, #tpu.memory_space<hbm>> -> memref<1x1x128xi32, #tpu.memory_space<hbm>>
      %dma_start3A_525 = tpu.memref_squeeze %dma_start3A_524 : memref<1x1x128xi32, #tpu.memory_space<hbm>> -> memref<128xi32, #tpu.memory_space<hbm>>
      tpu.enqueue_dma source(%dma_start3A_525 : memref<128xi32, #tpu.memory_space<hbm>>) target(%arg7 : memref<128xi32, #tpu.memory_space<vmem>>) target_semaphore(%arg16 : memref<!tpu.dma_semaphore, #tpu.memory_space<semaphore_mem>>)
      %dma_wait3A_526 = arith.constant 0 : i32
      %dma_wait3A_527 = arith.constant 0 : i32
      %dma_wait3A_528 = tpu.memref_slice %arg2[%dma_wait3A_526, %dma_wait3A_527] : memref<20000x128xf32, #tpu.memory_space<hbm>> -> memref<20000x128xf32, #tpu.memory_space<hbm>>
      tpu.wait_indirect_dma semaphore(%arg18 : memref<!tpu.dma_semaphore, #tpu.memory_space<semaphore_mem>>) src(%dma_wait3A_528 : memref<20000x128xf32, #tpu.memory_space<hbm>>) dst(%arg13 : memref<128x128xf32, #tpu.memory_space<vmem>>)
      "tpu.region"() ({
        %run_scoped3A_529 = tpu.sem_alloc : memref<!tpu.dma_semaphore, #tpu.memory_space<semaphore_mem>>
        %dma_start3A_530 = arith.constant 0 : i32
        %dma_start3A_531 = arith.constant 0 : i32
        %dma_start3A_532 = tpu.memref_slice %arg14[%dma_start3A_530, %dma_start3A_531] : memref<10112x128xf32, #tpu.memory_space<vmem_shared>> -> memref<10112x128xf32, #tpu.memory_space<vmem_shared>>
        tpu.enqueue_indirect_dma source(%arg13 : memref<128x128xf32, #tpu.memory_space<vmem>>) target(%dma_start3A_532 : memref<10112x128xf32, #tpu.memory_space<vmem_shared>>) offsets(%arg11 : memref<128xi32, #tpu.memory_space<vmem>>) semaphore(%run_scoped3A_529 : memref<!tpu.dma_semaphore, #tpu.memory_space<semaphore_mem>>) {add = true}
        %dma_wait3A_533 = arith.constant 0 : i32
        %dma_wait3A_534 = arith.constant 0 : i32
        %dma_wait3A_535 = tpu.memref_slice %arg14[%dma_wait3A_533, %dma_wait3A_534] : memref<10112x128xf32, #tpu.memory_space<vmem_shared>> -> memref<10112x128xf32, #tpu.memory_space<vmem_shared>>
        tpu.wait_indirect_dma semaphore(%run_scoped3A_529 : memref<!tpu.dma_semaphore, #tpu.memory_space<semaphore_mem>>) src(%arg13 : memref<128x128xf32, #tpu.memory_space<vmem>>) dst(%dma_wait3A_535 : memref<10112x128xf32, #tpu.memory_space<vmem_shared>>)
        tpu.yield
      }) : () -> ()
    }
    %scan3A_161 = arith.constant 39 : i32
    %dma_wait3A = arith.constant 0 : i32
    %dma_wait3A_162 = arith.constant 0 : i32
    %dma_wait3A_163 = tpu.memref_slice %arg2[%dma_wait3A, %dma_wait3A_162] : memref<20000x128xf32, #tpu.memory_space<hbm>> -> memref<20000x128xf32, #tpu.memory_space<hbm>>
    tpu.wait_indirect_dma semaphore(%arg17 : memref<!tpu.dma_semaphore, #tpu.memory_space<semaphore_mem>>) src(%dma_wait3A_163 : memref<20000x128xf32, #tpu.memory_space<hbm>>) dst(%arg12 : memref<128x128xf32, #tpu.memory_space<vmem>>)
    "tpu.region"() ({
      %run_scoped3A_176 = tpu.sem_alloc : memref<!tpu.dma_semaphore, #tpu.memory_space<semaphore_mem>>
      %dma_start3A_177 = arith.constant 0 : i32
      %dma_start3A_178 = arith.constant 0 : i32
      %dma_start3A_179 = tpu.memref_slice %arg14[%dma_start3A_177, %dma_start3A_178] : memref<10112x128xf32, #tpu.memory_space<vmem_shared>> -> memref<10112x128xf32, #tpu.memory_space<vmem_shared>>
      tpu.enqueue_indirect_dma source(%arg12 : memref<128x128xf32, #tpu.memory_space<vmem>>) target(%dma_start3A_179 : memref<10112x128xf32, #tpu.memory_space<vmem_shared>>) offsets(%arg10 : memref<128xi32, #tpu.memory_space<vmem>>) semaphore(%run_scoped3A_176 : memref<!tpu.dma_semaphore, #tpu.memory_space<semaphore_mem>>) {add = true}
      %dma_wait3A_180 = arith.constant 0 : i32
      %dma_wait3A_181 = arith.constant 0 : i32
      %dma_wait3A_182 = tpu.memref_slice %arg14[%dma_wait3A_180, %dma_wait3A_181] : memref<10112x128xf32, #tpu.memory_space<vmem_shared>> -> memref<10112x128xf32, #tpu.memory_space<vmem_shared>>
      tpu.wait_indirect_dma semaphore(%run_scoped3A_176 : memref<!tpu.dma_semaphore, #tpu.memory_space<semaphore_mem>>) src(%arg12 : memref<128x128xf32, #tpu.memory_space<vmem>>) dst(%dma_wait3A_182 : memref<10112x128xf32, #tpu.memory_space<vmem_shared>>)
      tpu.yield
    }) : () -> ()
    %dma_wait3A_164 = arith.constant 79 : i32
    %dma_wait3A_165 = arith.constant 0 : i32
    %dma_wait3A_166 = tpu.memref_slice %arg3[%arg1, %dma_wait3A_164, %dma_wait3A_165] : memref<16x80x128xi32, #tpu.memory_space<hbm>> -> memref<1x1x128xi32, #tpu.memory_space<hbm>>
    %dma_wait3A_167 = tpu.memref_squeeze %dma_wait3A_166 : memref<1x1x128xi32, #tpu.memory_space<hbm>> -> memref<128xi32, #tpu.memory_space<hbm>>
    %dma_wait3A_168 = arith.constant 0 : i32
    %dma_wait3A_169 = tpu.memref_slice %arg3[%arg1, %dma_wait3A_164, %dma_wait3A_168] : memref<16x80x128xi32, #tpu.memory_space<hbm>> -> memref<1x1x128xi32, #tpu.memory_space<hbm>>
    %dma_wait3A_170 = tpu.memref_squeeze %dma_wait3A_169 : memref<1x1x128xi32, #tpu.memory_space<hbm>> -> memref<128xi32, #tpu.memory_space<hbm>>
    tpu.wait_dma2 semaphore(%arg16 : memref<!tpu.dma_semaphore, #tpu.memory_space<semaphore_mem>>) src(%dma_wait3A_170 : memref<128xi32, #tpu.memory_space<hbm>>) dst(%arg7 : memref<128xi32, #tpu.memory_space<vmem>>)
    %barrier3A_171 = arith.constant 0 : index
    tpu.barrier barrier_id(%barrier3A_171)
    %mul3A_172 = arith.constant 632 : i32
    %mul3A_173 = arith.muli %arg1, %mul3A_172 : i32
    %mul3A_174 = arith.constant 632 : i32
    %mul3A_175 = arith.muli %arg1, %mul3A_174 : i32
    "tpu.region"() ({
      %run_scoped3A_176 = tpu.sem_alloc : memref<!tpu.dma_semaphore, #tpu.memory_space<semaphore_mem>>
      %dma_start3A_177 = arith.constant 0 : i32
      %dma_start3A_178 = tpu.memref_slice %arg5[%arg0, %mul3A_175, %dma_start3A_177] : memref<2x10112x128xf32, #tpu.memory_space<hbm>> -> memref<1x632x128xf32, #tpu.memory_space<hbm>>
      %dma_start3A_179 = tpu.memref_squeeze %dma_start3A_178 : memref<1x632x128xf32, #tpu.memory_space<hbm>> -> memref<632x128xf32, #tpu.memory_space<hbm>>
      %dma_start3A_180 = arith.constant 0 : i32
      %dma_start3A_181 = tpu.memref_slice %arg14[%mul3A_173, %dma_start3A_180] : memref<10112x128xf32, #tpu.memory_space<vmem_shared>> -> memref<632x128xf32, #tpu.memory_space<vmem_shared>>
      tpu.enqueue_dma source(%dma_start3A_181 : memref<632x128xf32, #tpu.memory_space<vmem_shared>>) target(%dma_start3A_179 : memref<632x128xf32, #tpu.memory_space<hbm>>) target_semaphore(%run_scoped3A_176 : memref<!tpu.dma_semaphore, #tpu.memory_space<semaphore_mem>>)
      %dma_wait3A_182 = arith.constant 0 : i32
      %dma_wait3A_183 = tpu.memref_slice %arg5[%arg0, %mul3A_175, %dma_wait3A_182] : memref<2x10112x128xf32, #tpu.memory_space<hbm>> -> memref<1x632x128xf32, #tpu.memory_space<hbm>>
      %dma_wait3A_184 = tpu.memref_squeeze %dma_wait3A_183 : memref<1x632x128xf32, #tpu.memory_space<hbm>> -> memref<632x128xf32, #tpu.memory_space<hbm>>
      %dma_wait3A_185 = arith.constant 0 : i32
      %dma_wait3A_186 = tpu.memref_slice %arg14[%mul3A_173, %dma_wait3A_185] : memref<10112x128xf32, #tpu.memory_space<vmem_shared>> -> memref<632x128xf32, #tpu.memory_space<vmem_shared>>
      tpu.wait_dma2 semaphore(%run_scoped3A_176 : memref<!tpu.dma_semaphore, #tpu.memory_space<semaphore_mem>>) src(%dma_wait3A_186 : memref<632x128xf32, #tpu.memory_space<vmem_shared>>) dst(%dma_wait3A_184 : memref<632x128xf32, #tpu.memory_space<hbm>>)
      tpu.yield
    }) : () -> ()
    return
  }
}

module attributes {stable_mosaic.version = 14 : i64} {
  func.func @body(%arg0: i32, %arg1: memref<2000x256xf32, #tpu.memory_space<vmem>>, %arg2: memref<2000x128xf32, #tpu.memory_space<vmem>>, %arg3: memref<2000x128xf32, #tpu.memory_space<vmem>>, %arg4: memref<256x256xf32, #tpu.memory_space<vmem>>, %arg5: memref<1x256xf32, #tpu.memory_space<vmem>>, %arg6: memref<2000x256xf32, #tpu.memory_space<vmem>>) attributes {dimension_semantics = [#tpu.dimension_semantics<arbitrary>], iteration_bounds = array<i64: 5>, scalar_prefetch = 0 : i64, scratch_operands = 0 : i64, tpu.core_type = #tpu.core_type<tc>, window_params = [{transform_indices = @transform_0, window_bounds = array<i64: 2000, 256>}, {transform_indices = @transform_1, window_bounds = array<i64: 2000, 128>}, {transform_indices = @transform_2, window_bounds = array<i64: 2000, 128>}, {pipeline_mode = #tpu.pipeline_mode<synchronous>, transform_indices = @transform_3, window_bounds = array<i64: 256, 256>}, {pipeline_mode = #tpu.pipeline_mode<synchronous>, transform_indices = @transform_4, window_bounds = array<i64: 1, 256>}, {transform_indices = @transform_5, window_bounds = array<i64: 2000, 256>}]} {
    %get3A = arith.constant 0 : index
    %get3A_0 = arith.constant 0 : index
    %get3A_1 = vector.load %arg1[%get3A, %get3A_0] : memref<2000x256xf32, #tpu.memory_space<vmem>>, vector<2000x256xf32>
    %get3A_2 = arith.constant 0 : index
    %get3A_3 = arith.constant 0 : index
    %get3A_4 = vector.load %arg2[%get3A_2, %get3A_3] : memref<2000x128xf32, #tpu.memory_space<vmem>>, vector<2000x128xf32>
    %get3A_5 = arith.constant 0 : index
    %get3A_6 = arith.constant 0 : index
    %get3A_7 = vector.load %arg3[%get3A_5, %get3A_6] : memref<2000x128xf32, #tpu.memory_space<vmem>>, vector<2000x128xf32>
    %concatenate3A = tpu.concatenate %get3A_4, %get3A_7 in 1 : vector<2000x128xf32>, vector<2000x128xf32> -> vector<2000x256xf32>
    %mul3A = arith.mulf %get3A_1, %concatenate3A : vector<2000x256xf32>
    %get3A_8 = arith.constant 0 : index
    %get3A_9 = arith.constant 0 : index
    %get3A_10 = vector.load %arg4[%get3A_8, %get3A_9] : memref<256x256xf32, #tpu.memory_space<vmem>>, vector<256x256xf32>
    %dot_general3A = arith.constant dense<0.000000e+00> : vector<2000x256xf32>
    %dot_general3A_11 = tpu.matmul %mul3A, %get3A_10, %dot_general3A {dimension_numbers = #tpu.dot_dimension_numbers<[1], [0], [0], [1], [0, 0, 1, 1], [], []>, transpose_lhs_hint = false} : vector<2000x256xf32>, vector<256x256xf32>, vector<2000x256xf32> -> vector<2000x256xf32>
    %get3A_12 = arith.constant 0 : index
    %get3A_13 = arith.constant 0 : index
    %get3A_14 = vector.load %arg5[%get3A_12, %get3A_13] : memref<1x256xf32, #tpu.memory_space<vmem>>, vector<1x256xf32>
    %add3A = vector.broadcast %get3A_14 : vector<1x256xf32> to vector<2000x256xf32>
    %add3A_15 = arith.addf %dot_general3A_11, %add3A : vector<2000x256xf32>
    %swap3A = arith.constant 0 : index
    %swap3A_16 = arith.constant 0 : index
    %swap3A_17 = vector.load %arg6[%swap3A, %swap3A_16] : memref<2000x256xf32, #tpu.memory_space<vmem>>, vector<2000x256xf32>
    tpu.vector_store %arg6[%swap3A, %swap3A_16], %add3A_15 {strides = array<i32>} : memref<2000x256xf32, #tpu.memory_space<vmem>>, vector<2000x256xf32>,
    return
  }
  func.func @transform_0(%arg0: i32) -> (i32, i32) {
    %c0_i32 = arith.constant 0 : i32
    %c0_i32_0 = arith.constant 0 : i32
    return %arg0, %c0_i32 : i32, i32
  }
  func.func @transform_1(%arg0: i32) -> (i32, i32) {
    %c0_i32 = arith.constant 0 : i32
    %c0_i32_0 = arith.constant 0 : i32
    return %arg0, %c0_i32 : i32, i32
  }
  func.func @transform_2(%arg0: i32) -> (i32, i32) {
    %c0_i32 = arith.constant 0 : i32
    %c0_i32_0 = arith.constant 0 : i32
    return %arg0, %c0_i32 : i32, i32
  }
  func.func @transform_3(%arg0: i32) -> (i32, i32) {
    %c0_i32 = arith.constant 0 : i32
    %c0_i32_0 = arith.constant 0 : i32
    %c0_i32_1 = arith.constant 0 : i32
    return %c0_i32, %c0_i32_0 : i32, i32
  }
  func.func @transform_4(%arg0: i32) -> (i32, i32) {
    %c0_i32 = arith.constant 0 : i32
    %c0_i32_0 = arith.constant 0 : i32
    %c0_i32_1 = arith.constant 0 : i32
    return %c0_i32, %c0_i32_0 : i32, i32
  }
  func.func @transform_5(%arg0: i32) -> (i32, i32) {
    %c0_i32 = arith.constant 0 : i32
    %c0_i32_0 = arith.constant 0 : i32
    return %arg0, %c0_i32 : i32, i32
  }
}

</mosaic_0001>

<sc_bundles>
// kernel: kernel.4.cloned.1.call-start
scs
__scs_entry_jumppad:
0x0: {  	(pc) =	sbr.rel $0x88, $3  }
0x1: {  	(tag) =	ssettag $0x0;
	lr =	simm.s32 $0x1  }
0x2: {  	[smem:$0x3F9D] =	sst lr;
	_ =	strace $0xD0000000  }
0x3: {  	_ = 	snop  }
0x4: {  	_ = 	snop  }
0x5: {  	_ = 	snop  }
0x6: {  	_ = 	snop  }
0x7: {  	_ = 	snop  }
__scs_overlays_trampoline_lowered:
0x8: {  	[smem:$0x3FAC] =	sst s0  }
0x9: {  	[smem:$0x3FAD] =	sst s1  }
0xa: {  	[smem:$0x3FAE] =	sst s2  }
0xb: {  	[smem:$0x3FAF] =	sst s3  }
0xc: {  	[smem:$0x3FB0] =	sst s4  }
0xd: {  	[smem:$0x3FB1] =	sst s5  }
0xe: {  	[smem:$0x3FB2] =	sst s6  }
0xf: {  	[smem:$0x3FB3] =	sst s7  }
0x10: {  	[smem:$0x3FB4] =	sst s8  }
0x11: {  	[smem:$0x3FB5] =	sst s9;
	s0 =	simm.s32 @!p0 $0x0  }
0x12: {  	s1 =	sld [smem:$0x3F9B];
	s0 =	simm.s32 @p0 $0x1  }
0x13: {  	[smem:$0x3FB6] =	sst s0;
	s0 =	simm.s32 @!p1 $0x0  }
0x14: {  	s2 =	sld [smem:$0x3F9A];
	s0 =	simm.s32 @p1 $0x1  }
0x15: {  	[smem:$0x3FB7] =	sst s0;
	s0 =	simm.s32 @!p2 $0x0  }
0x16: {  	s3 =	sld [smem:$0x3FDB];
	s0 =	simm.s32 @p2 $0x1  }
0x17: {  	s4 =	simm.s32 $0x1BF5;
	[smem:$0x3FB9] =	sst s0  }
0x18: {  	s0 =	sld [smem:$0x3F9C];
	_ =	swait.ge [sflag:s4], $0x0  }
0x19: {  	s7 =	sld [smem:$0x3F9D]  }
0x1a: {  	s8 =	sadd.s32 $0xFFFFE003, lr  }
0x1b: {  	s9 =	sadd.s32 $0xFFFFFEF7, lr;
	s5 =	simm.s32 $0xFFFFFFFF;
	p2 =	slt.u32 s8, $0xFFFFF086  }
0x1c: {  	p1 =	slt.u32 s9, $0xF7A;
	s5 =	simm.s32 @!p2 $0x0  }
0x1d: {  	s5 =	simm.s32 @p1 $0x1;
	p0 =	seq.s32 s7, s2  }
0x1e: {  	s7 =	smul.u32 @!p0 $0xF7A, s2;
	p2 =	seq.s32 @!p0 s5, $0x0  }
0x1f: {  	s9 =	smul.u32 $0xF7A, s1;
	s8 =	simm.s32 @!p0 $0x1BF5;
	p2 =	por !p2, p0  }
0x20: {  	[sflag:s8] =	ssyncset.s32 @!p0 $0xFFFFF086;
	s6 =	sadd.s32 @!p0 s3, s7;
	s7 =	simm.s32 @!p0 $0x108  }
0x21: {  	s3 =	sadd.s32 s3, s9;
	s6 =	sadd.s32 @!p0 $0x88, s6;
	s7 =	simm.s32 @p2 $0x1082  }
0x22: {  	[simem:s7], [sflag:s8] =	dma.local @!p0 [hbm:s6], $0xF7A  }
0x23: {  	s9 =	sor.u32 $0xD0000000, s2;
	s6 =	simm.s32 $0x108;
	_ =	swait.ge @!p0 [sflag:s8], $0x0  }
0x24: {  	s3 =	sadd.s32 $0x88, s3;
	s6 =	simm.s32 @!p1 $0x1082;
	[sflag:s4] =	ssyncset.s32 $0xFFFFF086  }
0x25: {  	[simem:s6], [sflag:s4] =	dma.local [hbm:s3], $0xF7A  }
0x26: {  	[smem:$0x3F9D] =	sst s1;
	(tag) =	ssettag s2;
	_ =	strace s9  }
0x27: {  	s1 =	sld [smem:$0x3FAD]  }
0x28: {  	s2 =	sld [smem:$0x3FAE]  }
0x29: {  	s4 =	sld [smem:$0x3FB0]  }
0x2a: {  	p0 =	seq.s32 s5, $0x0;
	s5 =	sld [smem:$0x3FB1]  }
0x2b: {  	s6 =	sld [smem:$0x3FB2]  }
0x2c: {  	s7 =	sld [smem:$0x3FB3]  }
0x2d: {  	s3 =	simm.s32 $0x108;
	s8 =	sld [smem:$0x3FB4]  }
0x2e: {  	s3 =	simm.s32 @!p0 $0x1082;
	s9 =	sld [smem:$0x3FB5]  }
0x2f: {  	lr =	sadd.s32 s0, s3;
	s0 =	sld [smem:$0x3FAC]  }
0x30: {  	s3 =	sld [smem:$0x3FAF]  }
0x31: {  	[smem:$0x3FB8] =	sst s10  }
0x32: {  	s10 =	sld [smem:$0x3FB6];
	_ =	sdelay $0x3  }
0x33: {  	p0 =	seq.s32 s10, $0x1;
	s10 =	sld [smem:$0x3FB8];
	_ =	sdelay $0x3  }
0x34: {  	[smem:$0x3FB8] =	sst s10  }
0x35: {  	s10 =	sld [smem:$0x3FB7];
	_ =	sdelay $0x3  }
0x36: {  	p1 =	seq.s32 s10, $0x1;
	s10 =	sld [smem:$0x3FB8];
	_ =	sdelay $0x3  }
0x37: {  	[smem:$0x3FB8] =	sst s10  }
0x38: {  	s10 =	sld [smem:$0x3FB9]  }
0x39: {  	_ = 	snop;
	(pc) =	sbr.ind lr, $3  }
0x3a: {  	_ = 	snop  }
0x3b: {  	_ = 	snop  }
0x3c: {  	p2 =	seq.s32 s10, $0x1;
	s10 =	sld [smem:$0x3FB8]  }
0x3d: {  	_ =	shalt  }
0x3e: {  	_ =	shalt  }
0x3f: {  	_ =	shalt  }
0x40: {  	_ =	shalt  }
0x41: {  	_ =	shalt  }
0x42: {  	_ =	shalt  }
0x43: {  	_ =	shalt  }
0x44: {  	_ =	shalt  }
0x45: {  	_ =	shalt  }
0x46: {  	_ =	shalt  }
0x47: {  	_ =	shalt  }
0x48: {  	_ =	shalt  }
0x49: {  	_ =	shalt  }
0x4a: {  	_ =	shalt  }
0x4b: {  	_ =	shalt  }
0x4c: {  	_ =	shalt  }
0x4d: {  	_ =	shalt  }
0x4e: {  	_ =	shalt  }
0x4f: {  	_ =	shalt  }
0x50: {  	_ =	shalt  }
0x51: {  	_ =	shalt  }
0x52: {  	_ =	shalt  }
0x53: {  	_ =	shalt  }
0x54: {  	_ =	shalt  }
0x55: {  	_ =	shalt  }
0x56: {  	_ =	shalt  }
0x57: {  	_ =	shalt  }
0x58: {  	_ =	shalt  }
0x59: {  	_ =	shalt  }
0x5a: {  	_ =	shalt  }
0x5b: {  	_ =	shalt  }
0x5c: {  	_ =	shalt  }
0x5d: {  	_ =	shalt  }
0x5e: {  	_ =	shalt  }
0x5f: {  	_ =	shalt  }
0x60: {  	_ =	shalt  }
0x61: {  	_ =	shalt  }
0x62: {  	_ =	shalt  }
0x63: {  	_ =	shalt  }
0x64: {  	_ =	shalt  }
0x65: {  	_ =	shalt  }
0x66: {  	_ =	shalt  }
0x67: {  	_ =	shalt  }
0x68: {  	_ =	shalt  }
0x69: {  	_ =	shalt  }
0x6a: {  	_ =	shalt  }
0x6b: {  	_ =	shalt  }
0x6c: {  	_ =	shalt  }
0x6d: {  	_ =	shalt  }
0x6e: {  	_ =	shalt  }
0x6f: {  	_ =	shalt  }
0x70: {  	_ =	shalt  }
0x71: {  	_ =	shalt  }
0x72: {  	_ =	shalt  }
0x73: {  	_ =	shalt  }
0x74: {  	_ =	shalt  }
0x75: {  	_ =	shalt  }
0x76: {  	_ =	shalt  }
0x77: {  	_ =	shalt  }
0x78: {  	_ =	shalt  }
0x79: {  	_ =	shalt  }
0x7a: {  	_ =	shalt  }
0x7b: {  	_ =	shalt  }
0x7c: {  	_ =	shalt  }
0x7d: {  	_ =	shalt  }
0x7e: {  	_ =	shalt  }
0x7f: {  	_ =	shalt  }
0x80: {  	_ =	shalt  }
0x81: {  	_ =	shalt  }
0x82: {  	_ =	shalt  }
0x83: {  	_ =	shalt  }
0x84: {  	_ =	shalt  }
0x85: {  	_ =	shalt  }
0x86: {  	_ =	shalt  }
0x87: {  	_ =	shalt  }
.Lfunc_end0:
.L_simem_size_0:
called_computation_lowered:
.L_overlay_start_0:
0x88: {  	s2 =	sld [smem:$0x3FD9]  }
0x89: {  	s3 =	sld [smem:$0x3FFE];
	_ =	sdelay $0x1  }
0x8a: {  	s1 =	srdreg.scid  }
0x8b: {  	s0 =	sand.u32 $0x1, s1  }
0x8c: {  	s17 =	sshll.u32 s0, $0xA;
	s2 =	sadd.s32 s3, s2  }
0x8d: {  	s2 =	sadd.s32 s2, s17  }
0x8e: {  	[smem:$0x3FC4] =	sst s2  }
0x8f: {  	_ = 	snop  }
0x90: {  	s2 =	sld [smem:$0x3FD0];
	(tm) =	ssettm $0x1  }
0x91: {  	s18 =	sld [smem:$0x3FFB];
	_ =	sdelay $0x3  }
0x92: {  	_ =	strace s18  }
0x93: {  	s3 =	sld [smem:$0x3FFC];
	_ =	sdelay $0x3  }
0x94: {  	_ =	strace s3  }
0x95: {  	s3 =	sld [smem:$0x3FFD];
	_ =	sdelay $0x3  }
0x96: {  	_ =	strace s3  }
0x97: {  	_ =	strace $0x8FFFFFFF  }
0x98: {  	s19 =	sld [smem:$0x3FDB];
	_ =	sdelay $0x1  }
0x99: {  	s4 =	simm.s32 $_scs_section_size  }
0x9a: {  	s5 =	simm.s32 $_size__tile_overlayer_lowered;
	s6 =	simm.s32 $_tile_overlayer_lowered  }
0x9b: {  	s22 =	simm.s32 $0x1BFF;
	s21 =	sshll.u32 s6, $0x1;
	s3 =	sadd.s32 s4, s19  }
0x9c: {  	s7 =	simm.s32 $0x0;
	s20 =	sshll.u32 s5, $0x1;
	s5 =	sadd.s32 s21, s3  }
0x9d: {  	[timem:s7], [sflag:s22] =	dma.local [hbm:s5], s20  }
0x9e: {  	_ =	swait.ge [sflag:s22], s20  }
0x9f: {  	s4 =	ssub.s32 $0x0, s20;
	[sflag:s22] =	ssyncset.done $0x0  }
0xa0: {  	[sflag:s22] =	ssyncadd.s32 s4;
	_ =	sdelay $0x1  }
0xa1: {  	s23 =	simm.s32 $0x1B8B  }
0xa2: {  	_ =	swait.ge [sflag:s23], $0x1  }
0xa3: {  	[sflag:s23] =	ssyncset.done $0x0  }
0xa4: {  	s25 =	simm.s32 $0x1B8E;
	s24 =	sld [smem:$0x3FFE];
	[sflag:s23] =	ssyncadd.s32 $0xFFFFFFFF  }
0xa5: {  	s26 =	simm.s32 $execute0_lowered;
	[smem:$0x3FD2] =	sst s25  }
0xa6: {  	s5 =	sshll.u32 s26, $0x1;
	_ =	strace $0x80000046;
	[dreg:$0x1] =	wrdreg $0xFFFFFFFF  }
0xa7: {  	s28 =	simm.s32 $_size_execute0_lowered;
	s3 =	sadd.s32 s3, s5;
	[dreg:$0x0] =	wrdreg $0x0  }
0xa8: {  	s5 =	sshll.u32 s28, $0x1;
	[dreg:$0x2] =	wrdreg s3  }
0xa9: {  	[dreg:$0x3] =	wrdreg s5  }
0xaa: {  	[dreg:$0x4] =	wrdreg $0xC0  }
0xab: {  	_ =	task [dreg:s7], $0x5FFFF  }
0xac: {  	[dreg:$0x1] =	wrdreg $0xFFFFFFFF  }
0xad: {  	[dreg:$0x0] =	wrdreg $0x60  }
0xae: {  	[dreg:$0x2] =	wrdreg s2  }
0xaf: {  	[dreg:$0x3] =	wrdreg s24  }
0xb0: {  	[dreg:$0x4] =	wrdreg $0x83000  }
0xb1: {  	[dreg:$0x5] =	wrdreg $0x9  }
0xb2: {  	_ =	task.clear_ibuf [dreg:s7], $0x6FFFF;
	_ =	strace $0x90000046  }
0xb3: {  	s29 =	simm.s32 $0x9;
	_ =	strace $0x80000048  }
0xb4: {  	_ =	swait.ge [sflag:s29], $0x1  }
0xb5: {  	[sflag:s29] =	ssyncadd.s32 $0xFFFFFFFF  }
0xb6: {  	_ =	strace $0x90000048  }
0xb7: {  	_ =	sfence  }
0xb8: {  	s30 =	sld [smem:$0x0];
	_ =	sdelay $0x2  }
0xb9: {  	s31 =	sshll.u32 s1, $0xD;
	s1 =	sshrl.u32 s1, $0x2  }
0xba: {  	s3 =	sand.u32 $0x4000, s31;
	s1 =	sadd.s32 s1, s30  }
0xbb: {  	s0 =	sor.u32 s3, s0;
	s1 =	sshll.u32 s1, $0x11  }
0xbc: {  	s0 =	sor.u32 s1, s0  }
0xbd: {  	s0 =	sadd.s32 $0x8F2B, s0  }
0xbe: {  	[sflag:s0] =	ssyncadd.remote.s32 $0x1  }
0xbf: {  	_ =	sfence.sel $0xFFFF  }
0xc0: {  	[dreg:$0x0] =	wrdreg $0xFFFFFFFF;
	(pc) =	sbr.abs _section_cstart, $3  }
0xc1: {  	[dreg:$0x1] =	wrdreg $0xFFFFFFFF  }
0xc2: {  	_ =	task.clear_ibuf [dreg:s7], $0x2FFFF;
	_ =	strace $0x9FFFFFFF  }
0xc3: {  	(tm) =	ssettm $0x7FFFFFFF  }
tec
execute0_lowered:
.L_overlay_start_1:
0x0: {  	(tag) =	ssettag $0x1  }
0x1: {  	s1 =	rddreg [dreg:$0x0]  }
0x2: {  	s8 =	rddreg [dreg:$0x1]  }
0x3: {  	s2 =	rddreg [dreg:$0x2];
	s3 =	srdreg.scid;
	s4 =	simm.s32 $0x0  }
0x4: {  	s15 =	simm.s32 $0x80;
	s16 =	simm.s32 $0x100;
	s17 =	simm.s32 $0x300  }
0x5: {  	s18 =	simm.s32 $0x2;
	s19 =	simm.s32 $0x180;
	s20 =	simm.s32 $0x4300  }
0x6: {  	s21 =	simm.s32 $0x3;
	s22 =	simm.s32 $0x200;
	s23 =	simm.s32 $0x1  }
0x7: {  	s25 =	simm.s32 $0x280;
	s24 =	sand.u32 $0x1, s3;
	s3 =	stileid.u32  }
0x8: {  	s26 =	simm.s32 $0x0;
	[smem:$0x7FF] =	sst s4;
	s6 =	smul.u32 $0x13C000, s24  }
0x9: {  	s5 =	sadd.s32 $0x1400, s8;
	s7 =	smul.u32 $0x13C00, s3;
	_ =	strace $0x80000047  }
0xa: {  	s9 =	smul.u32 $0x4F000, s3;
	s11 =	ssub.s32 $0x2, s24;
	s31 =	sshll.u32 s3, $0x6  }
0xb: {  	v0 =	vmov s24;
	s24 =	simm.s32 $0x4;
	s28 =	sshrl.u32 s11, $0x1;
	s6 =	sadd.s32 s7, s6  }
0xc: {  	s7 =	sadd.s32 $0x6400, s8;
	s10 =	sshrl.u32 s6, $0x3;
	s6 =	smul.u32 $0x2800, s3  }
0xd: {  	s13 =	ssub.s32 s11, s28;
	s29 =	sshrl.u32 s9, $0x2;
	s9 =	sor.u32 $0x1C05, s31  }
0xe: {  	s14 =	sadd.s32 s29, s2;
	s12 =	sadd.s32 s10, s8;
	s30 =	sshrl.u32 s6, $0x3  }
0xf: {  	s11 =	sadd.s32 $0x8C00, s12;
	s12 =	smax.u32 s13, $0x1;
	s8 =	sadd.s32 s5, s30  }
0x10: {  	s13 =	sshrl.u32 s14, $0x3;
	s14 =	simm.s32 $0x5;
	s10 =	sadd.s32 $0x10, s8  }
.LBB2_1:
0x11: {  	[spmem:s13], [sflag:s9] =	dma.local [hbm:s7], $0x2780  }
0x12: {  	_ =	swait.ge [sflag:s14], $0x2780  }
0x13: {  	[sflag:s14] =	ssyncset.done $0x0  }
0x14: {  	[sflag:s14] =	ssyncadd.s32 $0xFFFFD880  }
0x15: {  	[bflag:$0x0] =	sbarrier.arrive $0xFFFF  }
0x16: {  	[tilespmem:s4], [sflag:$0x5] =	stream.linear.gather [hbm4b:s8+s4], $0x80, $0x38;
	[tilespmem:$0x1BF00] =	vst v63  }
0x17: {  	_ =	swait.ge [sflag:s14], $0x80  }
0x18: {  	[sflag:s14] =	ssyncset.done $0x0  }
0x19: {  	[sflag:s14] =	ssyncadd.s32 $0xFFFFFF80  }
0x1a: {  	v1 =	vld [tilespmem:$0x0]  }
0x1b: {  	v2 =	vld [tilespmem:$0x10];
	_ =	sdelay $0x1  }
0x1c: {  	v3 =	vld [tilespmem:$0x20];
	_ =	sdelay $0x1  }
0x1d: {  	v5 =	vld [tilespmem:$0x30];
	v4 =	vand.u32 $0x1FFFF, v1;
	v1 =	vshrl.u32 v1, $0x11  }
0x1e: {  	v52 =	vand.u32 $0x1FFFF, v2;
	v4 =	vadd.s32 v0, v4;
	[tilespmem:$0x200] =	vst v1  }
0x1f: {  	v53 =	vld [tilespmem:$0x40];
	v1 =	vadd.s32 v0, v52;
	[tilespmem:$0x100] =	vst v4  }
0x20: {  	[tilespmem:$0x110] =	vst v1;
	v1 =	vshrl.u32 v2, $0x11;
	v2 =	vand.u32 $0x1FFFF, v3  }
0x21: {  	[tilespmem:$0x210] =	vst v1;
	v1 =	vadd.s32 v0, v2;
	v2 =	vld [tilespmem:$0x50]  }
0x22: {  	[tilespmem:$0x120] =	vst v1;
	v1 =	vshrl.u32 v3, $0x11;
	v3 =	vand.u32 $0x1FFFF, v5  }
0x23: {  	[tilespmem:$0x220] =	vst v1;
	v1 =	vadd.s32 v0, v3;
	v3 =	vld [tilespmem:$0x60]  }
0x24: {  	v54 =	vand.u32 $0x1FFFF, v53;
	[tilespmem:$0x130] =	vst v1;
	v1 =	vshrl.u32 v5, $0x11  }
0x25: {  	v55 =	vld [tilespmem:$0x70];
	[tilespmem:$0x230] =	vst v1;
	v1 =	vadd.s32 v0, v54  }
0x26: {  	[tilespmem:$0x140] =	vst v1;
	v1 =	vshrl.u32 v53, $0x11;
	v56 =	vand.u32 $0x1FFFF, v2  }
0x27: {  	[tilespmem:$0x240] =	vst v1;
	v1 =	vadd.s32 v0, v56  }
0x28: {  	[tilespmem:$0x150] =	vst v1;
	v1 =	vshrl.u32 v2, $0x11;
	v2 =	vand.u32 $0x1FFFF, v3  }
0x29: {  	[tilespmem:$0x250] =	vst v1;
	v1 =	vadd.s32 v0, v2  }
0x2a: {  	v2 =	vand.u32 $0x1FFFF, v55;
	[tilespmem:$0x160] =	vst v1;
	v1 =	vshrl.u32 v3, $0x11  }
0x2b: {  	[tilespmem:$0x260] =	vst v1;
	v1 =	vadd.s32 v0, v2  }
0x2c: {  	[tilespmem:$0x170] =	vst v1;
	v1 =	vshrl.u32 v55, $0x11  }
0x2d: {  	[tilespmem:$0x270] =	vst v1  }
0x2e: {  	[tilespmem:s17], [sflag:$0x3] =	stream.indirect.gather [hbm4b:s1+s15], $0x80, s16, s15, $0xb8;
	[tilespmem:$0x1BF00] =	vst v63  }
0x2f: {  	_ = 	snop  }
0x30: {  	[tilespmem:s15], [sflag:$0x2] =	stream.linear.gather [hbm4b:s10+s4], $0x80, $0x38;
	[tilespmem:$0x1BF00] =	vst v63  }
0x31: {  	_ =	swait.ge [sflag:s18], $0x80  }
0x32: {  	[sflag:s18] =	ssyncset.done $0x0  }
0x33: {  	[sflag:s18] =	ssyncadd.s32 $0xFFFFFF80  }
0x34: {  	v1 =	vld [tilespmem:$0xF0]  }
0x35: {  	v2 =	vld [tilespmem:$0xE0]  }
0x36: {  	v3 =	vld [tilespmem:$0xD0]  }
0x37: {  	v57 =	vld [tilespmem:$0xB0]  }
0x38: {  	v61 =	vld [tilespmem:$0xC0]  }
0x39: {  	v58 =	vshrl.u32 v1, $0x11  }
0x3a: {  	v60 =	vld [tilespmem:$0x80];
	v6 =	vshrl.u32 v2, $0x11;
	[tilespmem:$0x2F0] =	vst v58  }
0x3b: {  	v7 =	vshrl.u32 v3, $0x11;
	[tilespmem:$0x2E0] =	vst v6  }
0x3c: {  	v8 =	vshrl.u32 v57, $0x11;
	[tilespmem:$0x2D0] =	vst v7  }
0x3d: {  	v59 =	vld [tilespmem:$0x90];
	v1 =	vand.u32 $0x1FFFF, v1;
	v62 =	vshrl.u32 v61, $0x11;
	[tilespmem:$0x2B0] =	vst v8  }
0x3e: {  	v2 =	vand.u32 $0x1FFFF, v2;
	v1 =	vadd.s32 v0, v1;
	[tilespmem:$0x2C0] =	vst v62  }
0x3f: {  	v63 =	vand.u32 $0x1FFFF, v60;
	v2 =	vadd.s32 v0, v2;
	[tilespmem:$0x1F0] =	vst v1  }
0x40: {  	v3 =	vand.u32 $0x1FFFF, v3;
	v4 =	vadd.s32 v0, v63;
	[tilespmem:$0x1E0] =	vst v2  }
0x41: {  	v1 =	vadd.s32 v0, v3;
	[tilespmem:$0x180] =	vst v4  }
0x42: {  	v2 =	vshrl.u32 v59, $0x11;
	v3 =	vld [tilespmem:$0xA0];
	[tilespmem:$0x1D0] =	vst v1  }
0x43: {  	v1 =	vshrl.u32 v60, $0x11;
	[tilespmem:$0x290] =	vst v2;
	v2 =	vand.u32 $0x1FFFF, v57  }
0x44: {  	[tilespmem:$0x280] =	vst v1;
	v1 =	vadd.s32 v0, v2;
	v2 =	vand.u32 $0x1FFFF, v61  }
0x45: {  	s28 =	simm.s32 $0x100;
	v2 =	vadd.s32 v0, v2;
	[tilespmem:$0x1B0] =	vst v1;
	v1 =	vand.u32 $0x1FFFF, v59  }
0x46: {  	s29 =	sand.u32 $0x7C00, s28;
	[tilespmem:$0x1C0] =	vst v2;
	v1 =	vadd.s32 v0, v1  }
0x47: {  	s28 =	sand.u32 $0x300, s28;
	s29 =	sadd.s32 s6, s29;
	v2 =	vand.u32 $0x1FFFF, v3;
	v3 =	vshrl.u32 v3, $0x11;
	[tilespmem:$0x190] =	vst v1  }
0x48: {  	s28 =	sor.u32 s28, s29;
	v1 =	vadd.s32 v0, v2;
	[tilespmem:$0x2A0] =	vst v3  }
0x49: {  	s28 =	sshrl.u32 s28, $0x3;
	[tilespmem:$0x1A0] =	vst v1  }
0x4a: {  	[tilespmem:s20], [sflag:$0x4] =	stream.indirect.gather [hbm4b:s1+s15], $0x80, s19, s15, $0xb8;
	[tilespmem:$0x1BF00] =	vst v63  }
0x4b: {  	s28 =	sadd.s32 s5, s28  }
0x4c: {  	[tilespmem:s4], [sflag:$0x1] =	stream.linear.gather [hbm4b:s28+s4], $0x80, $0x38;
	[tilespmem:$0x1BF00] =	vst v63  }
0x4d: {  	_ =	swait.ge [sflag:s21], $0x4000  }
0x4e: {  	[sflag:s21] =	ssyncset.done $0x0  }
0x4f: {  	[sflag:s21] =	ssyncadd.s32 $0xFFFFC000  }
0x50: {  	[spmem:s2] =	stream.indirect.scatter.add.f32 [tilespmem:s17], [sflag:$0x5], $0x80, s22, s15, $0xb8;
	[tilespmem:$0x1BF00] =	vst v63  }
0x51: {  	_ =	swait.ge [sflag:s14], $0x4000  }
0x52: {  	[sflag:s14] =	ssyncset.done $0x0  }
0x53: {  	[sflag:s14] =	ssyncadd.s32 $0xFFFFC000  }
0x54: {  	_ =	swait.ge [sflag:s23], $0x80  }
0x55: {  	[sflag:s23] =	ssyncset.done $0x0  }
0x56: {  	[sflag:s23] =	ssyncadd.s32 $0xFFFFFF80  }
0x57: {  	v1 =	vld [tilespmem:$0x60]  }
0x58: {  	s29 =	simm.s32 $0x280;
	s28 =	simm.s32 $0x180;
	v2 =	vld [tilespmem:$0x10]  }
.LBB2_2:
0x59: {  	p0 =	sne.s32 s29, $0x2780;
	v3 =	vld [tilespmem:$0x20];
	s30 =	smov.u32 s29;
	s29 =	sadd.s32 $0x100, s29  }
0x5a: {  	v4 =	vld [tilespmem:$0x30]  }
0x5b: {  	v5 =	vld [tilespmem:$0x40]  }
0x5c: {  	v6 =	vand.u32 $0x1FFFF, v1;
	v1 =	vshrl.u32 v1, $0x11  }
0x5d: {  	v7 =	vand.u32 $0x1FFFF, v2;
	v2 =	vshrl.u32 v2, $0x11;
	v6 =	vadd.s32 v0, v6;
	[tilespmem:$0x260] =	vst v1  }
0x5e: {  	v1 =	vadd.s32 v0, v7;
	[tilespmem:$0x210] =	vst v2;
	v2 =	vand.u32 $0x1FFFF, v3;
	v3 =	vshrl.u32 v3, $0x11;
	v7 =	vld [tilespmem:$0x70]  }
0x5f: {  	[tilespmem:$0x110] =	vst v1;
	v1 =	vadd.s32 v0, v2;
	v2 =	vand.u32 $0x1FFFF, v4;
	v4 =	vshrl.u32 v4, $0x11;
	v8 =	vld [tilespmem:$0x50]  }
0x60: {  	v9 =	vld [tilespmem:$0x0];
	[tilespmem:$0x120] =	vst v1;
	v1 =	vadd.s32 v0, v2;
	v2 =	vand.u32 $0x1FFFF, v5;
	v5 =	vshrl.u32 v5, $0x11  }
0x61: {  	v2 =	vadd.s32 v0, v2;
	[tilespmem:$0x240] =	vst v5  }
0x62: {  	[tilespmem:$0x140] =	vst v2  }
0x63: {  	[tilespmem:$0x230] =	vst v4;
	v2 =	vand.u32 $0x1FFFF, v7;
	v4 =	vshrl.u32 v7, $0x11  }
0x64: {  	[tilespmem:$0x220] =	vst v3;
	v3 =	vand.u32 $0x1FFFF, v8;
	v5 =	vshrl.u32 v8, $0x11;
	v2 =	vadd.s32 v0, v2  }
0x65: {  	v7 =	vand.u32 $0x1FFFF, v9;
	v8 =	vshrl.u32 v9, $0x11;
	v3 =	vadd.s32 v0, v3;
	[tilespmem:$0x250] =	vst v5  }
0x66: {  	v5 =	vadd.s32 v0, v7;
	[tilespmem:$0x160] =	vst v6  }
0x67: {  	[tilespmem:$0x200] =	vst v8  }
0x68: {  	[tilespmem:$0x150] =	vst v3  }
0x69: {  	s31 =	sand.u32 $0x7C00, s28;
	[tilespmem:$0x130] =	vst v1  }
0x6a: {  	s0 =	sand.u32 $0x380, s28;
	s31 =	sadd.s32 s6, s31;
	s28 =	smov.u32 s30;
	[tilespmem:$0x100] =	vst v5  }
0x6b: {  	s0 =	sor.u32 s0, s31;
	[tilespmem:$0x170] =	vst v2  }
0x6c: {  	s0 =	sshrl.u32 s0, $0x3;
	[tilespmem:$0x270] =	vst v4  }
0x6d: {  	[tilespmem:s17], [sflag:$0x3] =	stream.indirect.gather [hbm4b:s1+s15], $0x80, s16, s15, $0xb8;
	[tilespmem:$0x1BF00] =	vst v63  }
0x6e: {  	s0 =	sadd.s32 s5, s0  }
0x6f: {  	[tilespmem:s15], [sflag:$0x2] =	stream.linear.gather [hbm4b:s0+s4], $0x80, $0x38;
	[tilespmem:$0x1BF00] =	vst v63  }
0x70: {  	_ =	swait.ge [sflag:s24], $0x4000  }
0x71: {  	[sflag:s24] =	ssyncset.done $0x0  }
0x72: {  	[sflag:s24] =	ssyncadd.s32 $0xFFFFC000  }
0x73: {  	[spmem:s2] =	stream.indirect.scatter.add.f32 [tilespmem:s20], [sflag:$0x5], $0x80, s25, s15, $0xb8;
	[tilespmem:$0x1BF00] =	vst v63  }
0x74: {  	_ =	swait.ge [sflag:s14], $0x4000  }
0x75: {  	[sflag:s14] =	ssyncset.done $0x0  }
0x76: {  	[sflag:s14] =	ssyncadd.s32 $0xFFFFC000  }
0x77: {  	_ =	swait.ge [sflag:s18], $0x80  }
0x78: {  	[sflag:s18] =	ssyncset.done $0x0  }
0x79: {  	[sflag:s18] =	ssyncadd.s32 $0xFFFFFF80  }
0x7a: {  	v1 =	vld [tilespmem:$0xF0]  }
0x7b: {  	v2 =	vld [tilespmem:$0xE0]  }
0x7c: {  	v3 =	vld [tilespmem:$0xD0]  }
0x7d: {  	v4 =	vld [tilespmem:$0xB0]  }
0x7e: {  	v5 =	vld [tilespmem:$0x90]  }
0x7f: {  	v6 =	vld [tilespmem:$0x80];
	v7 =	vand.u32 $0x1FFFF, v1;
	v1 =	vshrl.u32 v1, $0x11  }
0x80: {  	v8 =	vand.u32 $0x1FFFF, v2;
	v2 =	vshrl.u32 v2, $0x11;
	v7 =	vadd.s32 v0, v7;
	[tilespmem:$0x2F0] =	vst v1  }
0x81: {  	v1 =	vshrl.u32 v3, $0x11;
	v8 =	vadd.s32 v0, v8;
	[tilespmem:$0x2E0] =	vst v2  }
0x82: {  	v3 =	vand.u32 $0x1FFFF, v3;
	v2 =	vand.u32 $0x1FFFF, v4;
	v4 =	vshrl.u32 v4, $0x11;
	v9 =	vld [tilespmem:$0xC0];
	[tilespmem:$0x2D0] =	vst v1  }
0x83: {  	v3 =	vadd.s32 v0, v3;
	v1 =	vand.u32 $0x1FFFF, v5;
	v5 =	vshrl.u32 v5, $0x11;
	v10 =	vld [tilespmem:$0xA0];
	[tilespmem:$0x2B0] =	vst v4  }
0x84: {  	v4 =	vand.u32 $0x1FFFF, v6;
	v6 =	vshrl.u32 v6, $0x11;
	v1 =	vadd.s32 v0, v1;
	[tilespmem:$0x1F0] =	vst v7  }
0x85: {  	v2 =	vadd.s32 v0, v2;
	v4 =	vadd.s32 v0, v4;
	[tilespmem:$0x1E0] =	vst v8  }
0x86: {  	[tilespmem:$0x1D0] =	vst v3  }
0x87: {  	[tilespmem:$0x290] =	vst v5;
	v3 =	vand.u32 $0x1FFFF, v9;
	v5 =	vshrl.u32 v9, $0x11  }
0x88: {  	[tilespmem:$0x280] =	vst v6;
	v6 =	vand.u32 $0x1FFFF, v10;
	v7 =	vshrl.u32 v10, $0x11;
	v3 =	vadd.s32 v0, v3  }
0x89: {  	v6 =	vadd.s32 v0, v6;
	[tilespmem:$0x2C0] =	vst v5  }
0x8a: {  	[tilespmem:$0x1B0] =	vst v2  }
0x8b: {  	[tilespmem:$0x1C0] =	vst v3  }
0x8c: {  	s0 =	sadd.s32 $0xFFFFFF80, s28;
	[tilespmem:$0x180] =	vst v4  }
0x8d: {  	s30 =	sand.u32 $0x7C00, s0;
	[tilespmem:$0x190] =	vst v1  }
0x8e: {  	s0 =	sand.u32 $0x300, s0;
	s30 =	sadd.s32 s6, s30;
	[tilespmem:$0x2A0] =	vst v7  }
0x8f: {  	s0 =	sor.u32 s0, s30;
	[tilespmem:$0x1A0] =	vst v6  }
0x90: {  	[tilespmem:s20], [sflag:$0x4] =	stream.indirect.gather [hbm4b:s1+s15], $0x80, s19, s15, $0xb8;
	[tilespmem:$0x1BF00] =	vst v63  }
0x91: {  	s0 =	sshrl.u32 s0, $0x3  }
0x92: {  	s0 =	sadd.s32 s5, s0  }
0x93: {  	[tilespmem:s4], [sflag:$0x1] =	stream.linear.gather [hbm4b:s0+s4], $0x80, $0x38;
	[tilespmem:$0x1BF00] =	vst v63  }
0x94: {  	_ =	swait.ge [sflag:s21], $0x4000  }
0x95: {  	[sflag:s21] =	ssyncset.done $0x0  }
0x96: {  	[sflag:s21] =	ssyncadd.s32 $0xFFFFC000  }
0x97: {  	[spmem:s2] =	stream.indirect.scatter.add.f32 [tilespmem:s17], [sflag:$0x5], $0x80, s22, s15, $0xb8;
	[tilespmem:$0x1BF00] =	vst v63  }
0x98: {  	_ =	swait.ge [sflag:s14], $0x4000  }
0x99: {  	[sflag:s14] =	ssyncset.done $0x0  }
0x9a: {  	[sflag:s14] =	ssyncadd.s32 $0xFFFFC000  }
.Ltmp0:
0x9b: {  	_ =	swait.ge [sflag:s23], $0x80;
	(pc) =	sbr.rel @p0 .LBB2_2-.Ltmp0, $4  }
0x9c: {  	[sflag:s23] =	ssyncset.done $0x0  }
0x9d: {  	[sflag:s23] =	ssyncadd.s32 $0xFFFFFF80  }
0x9e: {  	v1 =	vld [tilespmem:$0x60]  }
0x9f: {  	v2 =	vld [tilespmem:$0x10]  }
0xa0: {  	_ = 	snop  }
0xa1: {  	v3 =	vld [tilespmem:$0x20]  }
0xa2: {  	v6 =	vld [tilespmem:$0x30]  }
0xa3: {  	v4 =	vld [tilespmem:$0x40];
	v5 =	vshrl.u32 v1, $0x11  }
0xa4: {  	v60 =	vld [tilespmem:$0x0];
	v1 =	vand.u32 $0x1FFFF, v1;
	v7 =	vand.u32 $0x1FFFF, v2;
	v2 =	vshrl.u32 v2, $0x11;
	[tilespmem:$0x260] =	vst v5  }
0xa5: {  	v1 =	vadd.s32 v0, v1;
	[tilespmem:$0x210] =	vst v2  }
0xa6: {  	v58 =	vadd.s32 v0, v7;
	[tilespmem:$0x160] =	vst v1  }
0xa7: {  	v2 =	vand.u32 $0x1FFFF, v3;
	v61 =	vshrl.u32 v6, $0x11;
	[tilespmem:$0x110] =	vst v58  }
0xa8: {  	v59 =	vld [tilespmem:$0x50];
	v2 =	vadd.s32 v0, v2;
	[tilespmem:$0x230] =	vst v61  }
0xa9: {  	v62 =	vshrl.u32 v60, $0x11;
	[tilespmem:$0x120] =	vst v2;
	v2 =	vand.u32 $0x1FFFF, v4  }
0xaa: {  	v1 =	vand.u32 $0x1FFFF, v6;
	[tilespmem:$0x200] =	vst v62;
	v2 =	vadd.s32 v0, v2  }
0xab: {  	v1 =	vadd.s32 v0, v1;
	[tilespmem:$0x140] =	vst v2;
	v2 =	vshrl.u32 v3, $0x11;
	v3 =	vld [tilespmem:$0x70]  }
0xac: {  	[tilespmem:$0x130] =	vst v1  }
0xad: {  	[tilespmem:$0x220] =	vst v2;
	v2 =	vshrl.u32 v59, $0x11  }
0xae: {  	v4 =	vshrl.u32 v4, $0x11;
	[tilespmem:$0x250] =	vst v2;
	v2 =	vand.u32 $0x1FFFF, v59  }
0xaf: {  	v63 =	vand.u32 $0x1FFFF, v60;
	[tilespmem:$0x240] =	vst v4;
	v2 =	vadd.s32 v0, v2  }
0xb0: {  	s0 =	sand.u32 $0x7C00, s28;
	v4 =	vadd.s32 v0, v63;
	[tilespmem:$0x150] =	vst v2;
	v2 =	vand.u32 $0x1FFFF, v3  }
0xb1: {  	s31 =	sand.u32 $0x380, s28;
	s0 =	sadd.s32 s6, s0;
	[tilespmem:$0x100] =	vst v4;
	v1 =	vadd.s32 v0, v2  }
0xb2: {  	s0 =	sor.u32 s31, s0;
	v2 =	vshrl.u32 v3, $0x11;
	[tilespmem:$0x170] =	vst v1  }
0xb3: {  	s0 =	sshrl.u32 s0, $0x3;
	[tilespmem:$0x270] =	vst v2  }
0xb4: {  	[tilespmem:s17], [sflag:$0x3] =	stream.indirect.gather [hbm4b:s1+s15], $0x80, s16, s15, $0xb8;
	[tilespmem:$0x1BF00] =	vst v63  }
0xb5: {  	s0 =	sadd.s32 s5, s0  }
0xb6: {  	[tilespmem:s15], [sflag:$0x2] =	stream.linear.gather [hbm4b:s0+s4], $0x80, $0x38;
	[tilespmem:$0x1BF00] =	vst v63  }
0xb7: {  	_ =	swait.ge [sflag:s24], $0x4000  }
0xb8: {  	[sflag:s24] =	ssyncset.done $0x0  }
0xb9: {  	[sflag:s24] =	ssyncadd.s32 $0xFFFFC000  }
0xba: {  	[spmem:s2] =	stream.indirect.scatter.add.f32 [tilespmem:s20], [sflag:$0x5], $0x80, s25, s15, $0xb8;
	[tilespmem:$0x1BF00] =	vst v63  }
0xbb: {  	_ =	swait.ge [sflag:s14], $0x4000  }
0xbc: {  	[sflag:s14] =	ssyncset.done $0x0  }
0xbd: {  	[sflag:s14] =	ssyncadd.s32 $0xFFFFC000  }
0xbe: {  	_ =	swait.ge [sflag:s21], $0x4000  }
0xbf: {  	[sflag:s21] =	ssyncset.done $0x0  }
0xc0: {  	[sflag:s21] =	ssyncadd.s32 $0xFFFFC000  }
0xc1: {  	[spmem:s2] =	stream.indirect.scatter.add.f32 [tilespmem:s17], [sflag:$0x5], $0x80, s22, s15, $0xb8;
	[tilespmem:$0x1BF00] =	vst v63  }
0xc2: {  	_ =	swait.ge [sflag:s14], $0x4000  }
0xc3: {  	[sflag:s14] =	ssyncset.done $0x0  }
0xc4: {  	[sflag:s14] =	ssyncadd.s32 $0xFFFFC000  }
0xc5: {  	_ =	swait.ge [sflag:s18], $0x80  }
0xc6: {  	s26 =	sadd.s32 $0x1, s26;
	[sflag:s18] =	ssyncset.done $0x0  }
0xc7: {  	p0 =	sne.s32 s26, s12;
	[sflag:s18] =	ssyncadd.s32 $0xFFFFFF80  }
.Ltmp1:
0xc8: {  	[bflag:$0x0] =	sbarrier.arrive $0xFFFF;
	(pc) =	sbr.rel @p0 .LBB2_1-.Ltmp1, $4  }
0xc9: {  	[hbm:s11], [sflag:s9] =	dma.local [spmem:s13], $0x2780  }
0xca: {  	_ =	swait.ge [sflag:s14], $0x2780  }
0xcb: {  	[sflag:s14] =	ssyncset.done $0x0  }
0xcc: {  	[sflag:s14] =	ssyncadd.s32 $0xFFFFD880  }
0xcd: {  	_ =	sfence.sel $0x180000  }
0xce: {  	[bflag:$0x0] =	sbarrier.arrive $0xFFFF  }
0xcf: {  	_ =	strace $0x90000047  }
0xd0: {  	[bflag:$0x2] =	sbarrier.arrive $0xFFFF  }
0xd1: {  	p0 =	sne.s32 s3, $0x0;
	s0 =	rddreg [dreg:$0x3]  }
0xd2: {  	s0 =	sadd.s32 @!p0 $0x100000, s0  }
0xd3: {  	[sflag:s0] =	ssyncadd.tile.s32 @!p0 $0x1;
	_ =	shalt  }
.Lfunc_end2:
_tile_overlayer_lowered:
.L_overlay_start_2:
0xd4: {  	(tag) =	ssettag $0x2  }
0xd5: {  	s0 =	rddreg [dreg:$0x0];
	s2 =	stileid.u32  }
0xd6: {  	s1 =	rddreg [dreg:$0x1];
	p0 =	sne.s32 s2, $0x0  }
0xd7: {  	s3 =	rddreg [dreg:$0x2];
	[bflag:$0x3] =	sbarrier.arrive $0xFFFF;
	s2 =	simm.s32 @!p0 $0x1C05  }
0xd8: {  	[timem:s3], [sflag:s2] =	dma.local @!p0 [hbm:s0], s1  }
0xd9: {  	s0 =	simm.s32 @!p0 $0x5  }
0xda: {  	_ =	swait.ge @!p0 [sflag:s0], s1  }
0xdb: {  	s1 =	ssub.s32 @!p0 $0x0, s1;
	[sflag:s0] =	ssyncset.done @!p0 $0x0  }
0xdc: {  	[sflag:s0] =	ssyncadd.s32 @!p0 s1  }
0xdd: {  	[bflag:$0x3] =	sbarrier.arrive $0xFFFF  }
0xde: {  	_ =	shalt  }

</sc_bundles>
